<compile_context>
chip_gen: v7x
topology: tpu7x:2x2x1
jax: 0.10.2.dev20260603
libtpu: 0.0.44.dev20260713+nightly
codegen_flags: <defaults>
</compile_context>

<pallas_src>
import jax
import jax.numpy as jnp
from jax import lax
from jax.experimental import pallas as pl
from jax.experimental.pallas import tpu as pltpu
from jax.experimental.pallas import tpu_sc as plsc

import functools


def _make_sc_kernel(B, S, W):
    info = plsc.get_sparse_core_info()
    NC, NS, L = info.num_cores, info.num_subcores, info.num_lanes
    NW = NC * NS
    mid = S // 2
    assert mid % NW == 0
    K = mid // NW
    assert K % L == 0

    mesh = plsc.VectorSubcoreMesh(core_axis_name="c", subcore_axis_name="s")

    @functools.partial(
        pl.kernel,
        out_type=jax.ShapeDtypeStruct((B * S, W), jnp.float32),
        mesh=mesh,
        scratch_types=[
            pltpu.VMEM((K, W), jnp.float32),
            pltpu.VMEM((2 * B, K // 2), jnp.int32),
            pltpu.VMEM((1, W), jnp.float32),
            pltpu.SemaphoreType.DMA,
            pltpu.SemaphoreType.DMA,
        ],
    )
    def k(emb_hbm, out_hbm, buf, idx, x0, sem, gsem):
        wid = lax.axis_index("s") * NC + lax.axis_index("c")
        d0 = wid * K
        last = wid == NW - 1
        H = K // 2

        pltpu.async_copy(emb_hbm.at[pl.ds(d0, H)], buf.at[pl.ds(0, H)], gsem)
        pltpu.async_copy(emb_hbm.at[pl.ds(d0 + H, H)], buf.at[pl.ds(H, H)], gsem)

        @pl.when(last)
        def _():
            pltpu.async_copy(emb_hbm.at[pl.ds(mid, 1)], x0, gsem)

        for b in range(B):
            for h in range(2):
                for c in range(H // L):
                    base = b * S + mid - d0 - h * H - c * L
                    idx[2 * b + h, pl.ds(c * L, L)] = base - lax.iota(jnp.int32, L)

        copies = []
        for h in range(2):
            pltpu.make_async_copy(
                emb_hbm.at[pl.ds(d0 + h * H, H)], buf.at[pl.ds(h * H, H)], gsem
            ).wait()
            src_h = buf.at[pl.ds(h * H, H)]
            for b in range(B):
                copies.append(
                    pltpu.async_copy(
                        src_h, out_hbm.at[pl.ds(b * S + mid + d0 + h * H, H)], sem
                    )
                )
                copies.append(pltpu.async_copy(src_h, out_hbm.at[idx.at[2 * b + h]], sem))

        @pl.when(last)
        def _():
            pltpu.make_async_copy(emb_hbm.at[pl.ds(mid, 1)], x0, gsem).wait()
            for b in range(B):
                pltpu.async_copy(x0, out_hbm.at[pl.ds(b * S, 1)], sem).wait()

        for cp in copies:
            cp.wait()

    return k


def kernel(inputs, embeddings):
    B, S, W = inputs.shape
    out = _make_sc_kernel(B, S, W)(embeddings)
    return out.reshape(B, S, W)

# --- scband reference (transcript-rebuilt; emitter-appended) ---
"""Pipeline reference for scband-relative-position-embedding-9543417332302 (READ-ONLY COPY).

The authoritative reference and input builder live on the scoring server;
editing this copy changes nothing except your own understanding.
"""

import jax, jax.numpy as jnp
import numpy as np

MAX_LENGTH = 8192
WIDTH = 1024

def setup_inputs(seed: int = 0) -> dict:
    key = jax.random.key(seed)
    k1, k2 = jax.random.split(key)
    inputs = jax.random.normal(k1, (4, 4096, 1024), dtype=jnp.float32)
    # glorot_uniform for shape [fan_in=MAX_LENGTH//2, fan_out=WIDTH]
    rows = MAX_LENGTH // 2
    limit = np.sqrt(6.0 / (rows + WIDTH))
    embeddings = jax.random.uniform(k2, (rows, WIDTH), dtype=jnp.float32, minval=-limit, maxval=limit)
    return {"inputs": inputs, "embeddings": embeddings}

def reference(inputs, embeddings):
    seq_axis = 1
    actual_seq_len = inputs.shape[seq_axis]
    emb = embeddings[:actual_seq_len, :]
    seq_indices = jnp.arange(actual_seq_len)
    mid = actual_seq_len // 2
    dist_from_mid = jnp.abs(seq_indices - mid)
    position_embeddings = jnp.take(emb, dist_from_mid, axis=0)  # [S, width]
    new_shape = [1] * inputs.ndim
    new_shape[seq_axis] = actual_seq_len
    new_shape[-1] = position_embeddings.shape[-1]
    position_embeddings = jnp.reshape(position_embeddings, new_shape)
    return jnp.broadcast_to(position_embeddings, inputs.shape)

if __name__ == "__main__":
    import jax
    _d = setup_inputs()
    print(jax.jit(kernel)(*tuple(_d.values())))

</pallas_src>

<mosaic_0001>
#map = affine_map<(d0, d1) -> (0, 0)>
module attributes {stable_mosaic.version = 14 : i64} {
  func.func @k(%arg0: i32, %arg1: i32, %arg2: memref<4096x1024xf32, #tpu.memory_space<hbm>>, %arg3: memref<16384x1024xf32, #tpu.memory_space<hbm>>, %arg4: memref<64x1024xf32, #tpu.memory_space<vmem>>, %arg5: memref<8x32xi32, #tpu.memory_space<vmem>>, %arg6: memref<1x1024xf32, #tpu.memory_space<vmem>>, %arg7: memref<!tpu.dma_semaphore, #tpu.memory_space<semaphore_mem>>, %arg8: memref<!tpu.dma_semaphore, #tpu.memory_space<semaphore_mem>>) attributes {dimension_semantics = [#tpu.dimension_semantics<core_parallel>, #tpu.dimension_semantics<subcore_parallel>], iteration_bounds = array<i64: 2, 16>, scalar_prefetch = 0 : i64, scratch_operands = 5 : i64, tpu.core_type = #tpu.core_type<sc_vector_subcore>, window_params = [{transform_indices = #map}, {transform_indices = #map}]} {
    %mul3A = arith.constant 2 : i32
    %mul3A_0 = arith.muli %arg1, %mul3A : i32
    %add3A = arith.addi %mul3A_0, %arg0 : i32
    %mul3A_1 = arith.constant 64 : i32
    %mul3A_2 = arith.muli %add3A, %mul3A_1 : i32
    %eq3A = arith.constant 31 : i32
    %eq3A_3 = arith.cmpi eq, %add3A, %eq3A : i32
    %dma_start3A = arith.constant 0 : i32
    %dma_start3A_4 = arith.constant 0 : i32
    %dma_start3A_5 = tpu.memref_slice %arg4[%dma_start3A, %dma_start3A_4] : memref<64x1024xf32, #tpu.memory_space<vmem>> -> memref<32x1024xf32, #tpu.memory_space<vmem>>
    %dma_start3A_6 = arith.constant 0 : i32
    %dma_start3A_7 = tpu.memref_slice %arg2[%mul3A_2, %dma_start3A_6] : memref<4096x1024xf32, #tpu.memory_space<hbm>> -> memref<32x1024xf32, #tpu.memory_space<hbm>>
    %dma_start3A_8 = arith.constant 0 : i32
    %dma_start3A_9 = arith.constant 0 : i32
    %dma_start3A_10 = tpu.memref_slice %arg4[%dma_start3A_8, %dma_start3A_9] : memref<64x1024xf32, #tpu.memory_space<vmem>> -> memref<32x1024xf32, #tpu.memory_space<vmem>>
    %dma_start3A_11 = arith.constant 0 : i32
    %dma_start3A_12 = tpu.memref_slice %arg2[%mul3A_2, %dma_start3A_11] : memref<4096x1024xf32, #tpu.memory_space<hbm>> -> memref<32x1024xf32, #tpu.memory_space<hbm>>
    tpu.enqueue_dma source(%dma_start3A_12 : memref<32x1024xf32, #tpu.memory_space<hbm>>) target(%dma_start3A_10 : memref<32x1024xf32, #tpu.memory_space<vmem>>) target_semaphore(%arg8 : memref<!tpu.dma_semaphore, #tpu.memory_space<semaphore_mem>>)
    %add3A_13 = arith.constant 32 : i32
    %add3A_14 = arith.addi %mul3A_2, %add3A_13 : i32
    %dma_start3A_15 = arith.constant 32 : i32
    %dma_start3A_16 = arith.constant 0 : i32
    %dma_start3A_17 = tpu.memref_slice %arg4[%dma_start3A_15, %dma_start3A_16] : memref<64x1024xf32, #tpu.memory_space<vmem>> -> memref<32x1024xf32, #tpu.memory_space<vmem>>
    %dma_start3A_18 = arith.constant 0 : i32
    %dma_start3A_19 = tpu.memref_slice %arg2[%add3A_14, %dma_start3A_18] : memref<4096x1024xf32, #tpu.memory_space<hbm>> -> memref<32x1024xf32, #tpu.memory_space<hbm>>
    %dma_start3A_20 = arith.constant 32 : i32
    %dma_start3A_21 = arith.constant 0 : i32
    %dma_start3A_22 = tpu.memref_slice %arg4[%dma_start3A_20, %dma_start3A_21] : memref<64x1024xf32, #tpu.memory_space<vmem>> -> memref<32x1024xf32, #tpu.memory_space<vmem>>
    %dma_start3A_23 = arith.constant 0 : i32
    %dma_start3A_24 = tpu.memref_slice %arg2[%add3A_14, %dma_start3A_23] : memref<4096x1024xf32, #tpu.memory_space<hbm>> -> memref<32x1024xf32, #tpu.memory_space<hbm>>
    tpu.enqueue_dma source(%dma_start3A_24 : memref<32x1024xf32, #tpu.memory_space<hbm>>) target(%dma_start3A_22 : memref<32x1024xf32, #tpu.memory_space<vmem>>) target_semaphore(%arg8 : memref<!tpu.dma_semaphore, #tpu.memory_space<semaphore_mem>>)
    %convert_element_type3A = arith.extui %eq3A_3 : i1 to i32
    %cond3A = arith.constant 0 : i32
    %cond3A_25 = arith.cmpi ne, %convert_element_type3A, %cond3A : i32
    scf.if %cond3A_25 {
      %dma_start3A_641 = arith.constant 2048 : i32
      %dma_start3A_642 = arith.constant 0 : i32
      %dma_start3A_643 = tpu.memref_slice %arg2[%dma_start3A_641, %dma_start3A_642] : memref<4096x1024xf32, #tpu.memory_space<hbm>> -> memref<1x1024xf32, #tpu.memory_space<hbm>>
      %dma_start3A_644 = arith.constant 2048 : i32
      %dma_start3A_645 = arith.constant 0 : i32
      %dma_start3A_646 = tpu.memref_slice %arg2[%dma_start3A_644, %dma_start3A_645] : memref<4096x1024xf32, #tpu.memory_space<hbm>> -> memref<1x1024xf32, #tpu.memory_space<hbm>>
      tpu.enqueue_dma source(%dma_start3A_646 : memref<1x1024xf32, #tpu.memory_space<hbm>>) target(%arg6 : memref<1x1024xf32, #tpu.memory_space<vmem>>) target_semaphore(%arg8 : memref<!tpu.dma_semaphore, #tpu.memory_space<semaphore_mem>>)
    } else {
    }
    %sub3A = arith.constant 2048 : i32
    %sub3A_26 = arith.subi %sub3A, %mul3A_2 : i32
    %sub3A_27 = arith.constant 0 : i32
    %sub3A_28 = arith.subi %sub3A_26, %sub3A_27 : i32
    %sub3A_29 = arith.constant 0 : i32
    %sub3A_30 = arith.subi %sub3A_28, %sub3A_29 : i32
    %iota3A = tpu.iota {dimensions = array<i32: 0>} : vector<16xi32>
    %sub3A_31 = vector.broadcast %sub3A_30 : i32 to vector<16xi32>
    %sub3A_32 = arith.subi %sub3A_31, %iota3A : vector<16xi32>
    %swap3A = arith.constant 0 : i32
    %swap3A_33 = arith.index_cast %swap3A : i32 to index
    %swap3A_34 = arith.constant 0 : index
    %swap3A_35 = tpu.vector_load %arg5[%swap3A_33, %swap3A_34] {strides = array<i32>} : memref<8x32xi32, #tpu.memory_space<vmem>>, vector<1x16xi32>,
    %swap3A_36 = vector.shape_cast %swap3A_35 : vector<1x16xi32> to vector<16xi32>
    %swap3A_37 = vector.shape_cast %sub3A_32 : vector<16xi32> to vector<1x16xi32>
    tpu.vector_store %arg5[%swap3A_33, %swap3A_34], %swap3A_37 {strides = array<i32>} : memref<8x32xi32, #tpu.memory_space<vmem>>, vector<1x16xi32>,
    %sub3A_38 = arith.constant 2048 : i32
    %sub3A_39 = arith.subi %sub3A_38, %mul3A_2 : i32
    %sub3A_40 = arith.constant 0 : i32
    %sub3A_41 = arith.subi %sub3A_39, %sub3A_40 : i32
    %sub3A_42 = arith.constant 16 : i32
    %sub3A_43 = arith.subi %sub3A_41, %sub3A_42 : i32
    %iota3A_44 = tpu.iota {dimensions = array<i32: 0>} : vector<16xi32>
    %sub3A_45 = vector.broadcast %sub3A_43 : i32 to vector<16xi32>
    %sub3A_46 = arith.subi %sub3A_45, %iota3A_44 : vector<16xi32>
    %swap3A_47 = arith.constant 0 : i32
    %swap3A_48 = arith.index_cast %swap3A_47 : i32 to index
    %swap3A_49 = arith.constant 16 : index
    %swap3A_50 = tpu.vector_load %arg5[%swap3A_48, %swap3A_49] {strides = array<i32>} : memref<8x32xi32, #tpu.memory_space<vmem>>, vector<1x16xi32>,
    %swap3A_51 = vector.shape_cast %swap3A_50 : vector<1x16xi32> to vector<16xi32>
    %swap3A_52 = vector.shape_cast %sub3A_46 : vector<16xi32> to vector<1x16xi32>
    tpu.vector_store %arg5[%swap3A_48, %swap3A_49], %swap3A_52 {strides = array<i32>} : memref<8x32xi32, #tpu.memory_space<vmem>>, vector<1x16xi32>,
    %sub3A_53 = arith.constant 2048 : i32
    %sub3A_54 = arith.subi %sub3A_53, %mul3A_2 : i32
    %sub3A_55 = arith.constant 32 : i32
    %sub3A_56 = arith.subi %sub3A_54, %sub3A_55 : i32
    %sub3A_57 = arith.constant 0 : i32
    %sub3A_58 = arith.subi %sub3A_56, %sub3A_57 : i32
    %iota3A_59 = tpu.iota {dimensions = array<i32: 0>} : vector<16xi32>
    %sub3A_60 = vector.broadcast %sub3A_58 : i32 to vector<16xi32>
    %sub3A_61 = arith.subi %sub3A_60, %iota3A_59 : vector<16xi32>
    %swap3A_62 = arith.constant 1 : i32
    %swap3A_63 = arith.index_cast %swap3A_62 : i32 to index
    %swap3A_64 = arith.constant 0 : index
    %swap3A_65 = tpu.vector_load %arg5[%swap3A_63, %swap3A_64] {strides = array<i32>} : memref<8x32xi32, #tpu.memory_space<vmem>>, vector<1x16xi32>,
    %swap3A_66 = vector.shape_cast %swap3A_65 : vector<1x16xi32> to vector<16xi32>
    %swap3A_67 = vector.shape_cast %sub3A_61 : vector<16xi32> to vector<1x16xi32>
    tpu.vector_store %arg5[%swap3A_63, %swap3A_64], %swap3A_67 {strides = array<i32>} : memref<8x32xi32, #tpu.memory_space<vmem>>, vector<1x16xi32>,
    %sub3A_68 = arith.constant 2048 : i32
    %sub3A_69 = arith.subi %sub3A_68, %mul3A_2 : i32
    %sub3A_70 = arith.constant 32 : i32
    %sub3A_71 = arith.subi %sub3A_69, %sub3A_70 : i32
    %sub3A_72 = arith.constant 16 : i32
    %sub3A_73 = arith.subi %sub3A_71, %sub3A_72 : i32
    %iota3A_74 = tpu.iota {dimensions = array<i32: 0>} : vector<16xi32>
    %sub3A_75 = vector.broadcast %sub3A_73 : i32 to vector<16xi32>
    %sub3A_76 = arith.subi %sub3A_75, %iota3A_74 : vector<16xi32>
    %swap3A_77 = arith.constant 1 : i32
    %swap3A_78 = arith.index_cast %swap3A_77 : i32 to index
    %swap3A_79 = arith.constant 16 : index
    %swap3A_80 = tpu.vector_load %arg5[%swap3A_78, %swap3A_79] {strides = array<i32>} : memref<8x32xi32, #tpu.memory_space<vmem>>, vector<1x16xi32>,
    %swap3A_81 = vector.shape_cast %swap3A_80 : vector<1x16xi32> to vector<16xi32>
    %swap3A_82 = vector.shape_cast %sub3A_76 : vector<16xi32> to vector<1x16xi32>
    tpu.vector_store %arg5[%swap3A_78, %swap3A_79], %swap3A_82 {strides = array<i32>} : memref<8x32xi32, #tpu.memory_space<vmem>>, vector<1x16xi32>,
    %sub3A_83 = arith.constant 6144 : i32
    %sub3A_84 = arith.subi %sub3A_83, %mul3A_2 : i32
    %sub3A_85 = arith.constant 0 : i32
    %sub3A_86 = arith.subi %sub3A_84, %sub3A_85 : i32
    %sub3A_87 = arith.constant 0 : i32
    %sub3A_88 = arith.subi %sub3A_86, %sub3A_87 : i32
    %iota3A_89 = tpu.iota {dimensions = array<i32: 0>} : vector<16xi32>
    %sub3A_90 = vector.broadcast %sub3A_88 : i32 to vector<16xi32>
    %sub3A_91 = arith.subi %sub3A_90, %iota3A_89 : vector<16xi32>
    %swap3A_92 = arith.constant 2 : i32
    %swap3A_93 = arith.index_cast %swap3A_92 : i32 to index
    %swap3A_94 = arith.constant 0 : index
    %swap3A_95 = tpu.vector_load %arg5[%swap3A_93, %swap3A_94] {strides = array<i32>} : memref<8x32xi32, #tpu.memory_space<vmem>>, vector<1x16xi32>,
    %swap3A_96 = vector.shape_cast %swap3A_95 : vector<1x16xi32> to vector<16xi32>
    %swap3A_97 = vector.shape_cast %sub3A_91 : vector<16xi32> to vector<1x16xi32>
    tpu.vector_store %arg5[%swap3A_93, %swap3A_94], %swap3A_97 {strides = array<i32>} : memref<8x32xi32, #tpu.memory_space<vmem>>, vector<1x16xi32>,
    %sub3A_98 = arith.constant 6144 : i32
    %sub3A_99 = arith.subi %sub3A_98, %mul3A_2 : i32
    %sub3A_100 = arith.constant 0 : i32
    %sub3A_101 = arith.subi %sub3A_99, %sub3A_100 : i32
    %sub3A_102 = arith.constant 16 : i32
    %sub3A_103 = arith.subi %sub3A_101, %sub3A_102 : i32
    %iota3A_104 = tpu.iota {dimensions = array<i32: 0>} : vector<16xi32>
    %sub3A_105 = vector.broadcast %sub3A_103 : i32 to vector<16xi32>
    %sub3A_106 = arith.subi %sub3A_105, %iota3A_104 : vector<16xi32>
    %swap3A_107 = arith.constant 2 : i32
    %swap3A_108 = arith.index_cast %swap3A_107 : i32 to index
    %swap3A_109 = arith.constant 16 : index
    %swap3A_110 = tpu.vector_load %arg5[%swap3A_108, %swap3A_109] {strides = array<i32>} : memref<8x32xi32, #tpu.memory_space<vmem>>, vector<1x16xi32>,
    %swap3A_111 = vector.shape_cast %swap3A_110 : vector<1x16xi32> to vector<16xi32>
    %swap3A_112 = vector.shape_cast %sub3A_106 : vector<16xi32> to vector<1x16xi32>
    tpu.vector_store %arg5[%swap3A_108, %swap3A_109], %swap3A_112 {strides = array<i32>} : memref<8x32xi32, #tpu.memory_space<vmem>>, vector<1x16xi32>,
    %sub3A_113 = arith.constant 6144 : i32
    %sub3A_114 = arith.subi %sub3A_113, %mul3A_2 : i32
    %sub3A_115 = arith.constant 32 : i32
    %sub3A_116 = arith.subi %sub3A_114, %sub3A_115 : i32
    %sub3A_117 = arith.constant 0 : i32
    %sub3A_118 = arith.subi %sub3A_116, %sub3A_117 : i32
    %iota3A_119 = tpu.iota {dimensions = array<i32: 0>} : vector<16xi32>
    %sub3A_120 = vector.broadcast %sub3A_118 : i32 to vector<16xi32>
    %sub3A_121 = arith.subi %sub3A_120, %iota3A_119 : vector<16xi32>
    %swap3A_122 = arith.constant 3 : i32
    %swap3A_123 = arith.index_cast %swap3A_122 : i32 to index
    %swap3A_124 = arith.constant 0 : index
    %swap3A_125 = tpu.vector_load %arg5[%swap3A_123, %swap3A_124] {strides = array<i32>} : memref<8x32xi32, #tpu.memory_space<vmem>>, vector<1x16xi32>,
    %swap3A_126 = vector.shape_cast %swap3A_125 : vector<1x16xi32> to vector<16xi32>
    %swap3A_127 = vector.shape_cast %sub3A_121 : vector<16xi32> to vector<1x16xi32>
    tpu.vector_store %arg5[%swap3A_123, %swap3A_124], %swap3A_127 {strides = array<i32>} : memref<8x32xi32, #tpu.memory_space<vmem>>, vector<1x16xi32>,
    %sub3A_128 = arith.constant 6144 : i32
    %sub3A_129 = arith.subi %sub3A_128, %mul3A_2 : i32
    %sub3A_130 = arith.constant 32 : i32
    %sub3A_131 = arith.subi %sub3A_129, %sub3A_130 : i32
    %sub3A_132 = arith.constant 16 : i32
    %sub3A_133 = arith.subi %sub3A_131, %sub3A_132 : i32
    %iota3A_134 = tpu.iota {dimensions = array<i32: 0>} : vector<16xi32>
    %sub3A_135 = vector.broadcast %sub3A_133 : i32 to vector<16xi32>
    %sub3A_136 = arith.subi %sub3A_135, %iota3A_134 : vector<16xi32>
    %swap3A_137 = arith.constant 3 : i32
    %swap3A_138 = arith.index_cast %swap3A_137 : i32 to index
    %swap3A_139 = arith.constant 16 : index
    %swap3A_140 = tpu.vector_load %arg5[%swap3A_138, %swap3A_139] {strides = array<i32>} : memref<8x32xi32, #tpu.memory_space<vmem>>, vector<1x16xi32>,
    %swap3A_141 = vector.shape_cast %swap3A_140 : vector<1x16xi32> to vector<16xi32>
    %swap3A_142 = vector.shape_cast %sub3A_136 : vector<16xi32> to vector<1x16xi32>
    tpu.vector_store %arg5[%swap3A_138, %swap3A_139], %swap3A_142 {strides = array<i32>} : memref<8x32xi32, #tpu.memory_space<vmem>>, vector<1x16xi32>,
    %sub3A_143 = arith.constant 10240 : i32
    %sub3A_144 = arith.subi %sub3A_143, %mul3A_2 : i32
    %sub3A_145 = arith.constant 0 : i32
    %sub3A_146 = arith.subi %sub3A_144, %sub3A_145 : i32
    %sub3A_147 = arith.constant 0 : i32
    %sub3A_148 = arith.subi %sub3A_146, %sub3A_147 : i32
    %iota3A_149 = tpu.iota {dimensions = array<i32: 0>} : vector<16xi32>
    %sub3A_150 = vector.broadcast %sub3A_148 : i32 to vector<16xi32>
    %sub3A_151 = arith.subi %sub3A_150, %iota3A_149 : vector<16xi32>
    %swap3A_152 = arith.constant 4 : i32
    %swap3A_153 = arith.index_cast %swap3A_152 : i32 to index
    %swap3A_154 = arith.constant 0 : index
    %swap3A_155 = tpu.vector_load %arg5[%swap3A_153, %swap3A_154] {strides = array<i32>} : memref<8x32xi32, #tpu.memory_space<vmem>>, vector<1x16xi32>,
    %swap3A_156 = vector.shape_cast %swap3A_155 : vector<1x16xi32> to vector<16xi32>
    %swap3A_157 = vector.shape_cast %sub3A_151 : vector<16xi32> to vector<1x16xi32>
    tpu.vector_store %arg5[%swap3A_153, %swap3A_154], %swap3A_157 {strides = array<i32>} : memref<8x32xi32, #tpu.memory_space<vmem>>, vector<1x16xi32>,
    %sub3A_158 = arith.constant 10240 : i32
    %sub3A_159 = arith.subi %sub3A_158, %mul3A_2 : i32
    %sub3A_160 = arith.constant 0 : i32
    %sub3A_161 = arith.subi %sub3A_159, %sub3A_160 : i32
    %sub3A_162 = arith.constant 16 : i32
    %sub3A_163 = arith.subi %sub3A_161, %sub3A_162 : i32
    %iota3A_164 = tpu.iota {dimensions = array<i32: 0>} : vector<16xi32>
    %sub3A_165 = vector.broadcast %sub3A_163 : i32 to vector<16xi32>
    %sub3A_166 = arith.subi %sub3A_165, %iota3A_164 : vector<16xi32>
    %swap3A_167 = arith.constant 4 : i32
    %swap3A_168 = arith.index_cast %swap3A_167 : i32 to index
    %swap3A_169 = arith.constant 16 : index
    %swap3A_170 = tpu.vector_load %arg5[%swap3A_168, %swap3A_169] {strides = array<i32>} : memref<8x32xi32, #tpu.memory_space<vmem>>, vector<1x16xi32>,
    %swap3A_171 = vector.shape_cast %swap3A_170 : vector<1x16xi32> to vector<16xi32>
    %swap3A_172 = vector.shape_cast %sub3A_166 : vector<16xi32> to vector<1x16xi32>
    tpu.vector_store %arg5[%swap3A_168, %swap3A_169], %swap3A_172 {strides = array<i32>} : memref<8x32xi32, #tpu.memory_space<vmem>>, vector<1x16xi32>,
    %sub3A_173 = arith.constant 10240 : i32
    %sub3A_174 = arith.subi %sub3A_173, %mul3A_2 : i32
    %sub3A_175 = arith.constant 32 : i32
    %sub3A_176 = arith.subi %sub3A_174, %sub3A_175 : i32
    %sub3A_177 = arith.constant 0 : i32
    %sub3A_178 = arith.subi %sub3A_176, %sub3A_177 : i32
    %iota3A_179 = tpu.iota {dimensions = array<i32: 0>} : vector<16xi32>
    %sub3A_180 = vector.broadcast %sub3A_178 : i32 to vector<16xi32>
    %sub3A_181 = arith.subi %sub3A_180, %iota3A_179 : vector<16xi32>
    %swap3A_182 = arith.constant 5 : i32
    %swap3A_183 = arith.index_cast %swap3A_182 : i32 to index
    %swap3A_184 = arith.constant 0 : index
    %swap3A_185 = tpu.vector_load %arg5[%swap3A_183, %swap3A_184] {strides = array<i32>} : memref<8x32xi32, #tpu.memory_space<vmem>>, vector<1x16xi32>,
    %swap3A_186 = vector.shape_cast %swap3A_185 : vector<1x16xi32> to vector<16xi32>
    %swap3A_187 = vector.shape_cast %sub3A_181 : vector<16xi32> to vector<1x16xi32>
    tpu.vector_store %arg5[%swap3A_183, %swap3A_184], %swap3A_187 {strides = array<i32>} : memref<8x32xi32, #tpu.memory_space<vmem>>, vector<1x16xi32>,
    %sub3A_188 = arith.constant 10240 : i32
    %sub3A_189 = arith.subi %sub3A_188, %mul3A_2 : i32
    %sub3A_190 = arith.constant 32 : i32
    %sub3A_191 = arith.subi %sub3A_189, %sub3A_190 : i32
    %sub3A_192 = arith.constant 16 : i32
    %sub3A_193 = arith.subi %sub3A_191, %sub3A_192 : i32
    %iota3A_194 = tpu.iota {dimensions = array<i32: 0>} : vector<16xi32>
    %sub3A_195 = vector.broadcast %sub3A_193 : i32 to vector<16xi32>
    %sub3A_196 = arith.subi %sub3A_195, %iota3A_194 : vector<16xi32>
    %swap3A_197 = arith.constant 5 : i32
    %swap3A_198 = arith.index_cast %swap3A_197 : i32 to index
    %swap3A_199 = arith.constant 16 : index
    %swap3A_200 = tpu.vector_load %arg5[%swap3A_198, %swap3A_199] {strides = array<i32>} : memref<8x32xi32, #tpu.memory_space<vmem>>, vector<1x16xi32>,
    %swap3A_201 = vector.shape_cast %swap3A_200 : vector<1x16xi32> to vector<16xi32>
    %swap3A_202 = vector.shape_cast %sub3A_196 : vector<16xi32> to vector<1x16xi32>
    tpu.vector_store %arg5[%swap3A_198, %swap3A_199], %swap3A_202 {strides = array<i32>} : memref<8x32xi32, #tpu.memory_space<vmem>>, vector<1x16xi32>,
    %sub3A_203 = arith.constant 14336 : i32
    %sub3A_204 = arith.subi %sub3A_203, %mul3A_2 : i32
    %sub3A_205 = arith.constant 0 : i32
    %sub3A_206 = arith.subi %sub3A_204, %sub3A_205 : i32
    %sub3A_207 = arith.constant 0 : i32
    %sub3A_208 = arith.subi %sub3A_206, %sub3A_207 : i32
    %iota3A_209 = tpu.iota {dimensions = array<i32: 0>} : vector<16xi32>
    %sub3A_210 = vector.broadcast %sub3A_208 : i32 to vector<16xi32>
    %sub3A_211 = arith.subi %sub3A_210, %iota3A_209 : vector<16xi32>
    %swap3A_212 = arith.constant 6 : i32
    %swap3A_213 = arith.index_cast %swap3A_212 : i32 to index
    %swap3A_214 = arith.constant 0 : index
    %swap3A_215 = tpu.vector_load %arg5[%swap3A_213, %swap3A_214] {strides = array<i32>} : memref<8x32xi32, #tpu.memory_space<vmem>>, vector<1x16xi32>,
    %swap3A_216 = vector.shape_cast %swap3A_215 : vector<1x16xi32> to vector<16xi32>
    %swap3A_217 = vector.shape_cast %sub3A_211 : vector<16xi32> to vector<1x16xi32>
    tpu.vector_store %arg5[%swap3A_213, %swap3A_214], %swap3A_217 {strides = array<i32>} : memref<8x32xi32, #tpu.memory_space<vmem>>, vector<1x16xi32>,
    %sub3A_218 = arith.constant 14336 : i32
    %sub3A_219 = arith.subi %sub3A_218, %mul3A_2 : i32
    %sub3A_220 = arith.constant 0 : i32
    %sub3A_221 = arith.subi %sub3A_219, %sub3A_220 : i32
    %sub3A_222 = arith.constant 16 : i32
    %sub3A_223 = arith.subi %sub3A_221, %sub3A_222 : i32
    %iota3A_224 = tpu.iota {dimensions = array<i32: 0>} : vector<16xi32>
    %sub3A_225 = vector.broadcast %sub3A_223 : i32 to vector<16xi32>
    %sub3A_226 = arith.subi %sub3A_225, %iota3A_224 : vector<16xi32>
    %swap3A_227 = arith.constant 6 : i32
    %swap3A_228 = arith.index_cast %swap3A_227 : i32 to index
    %swap3A_229 = arith.constant 16 : index
    %swap3A_230 = tpu.vector_load %arg5[%swap3A_228, %swap3A_229] {strides = array<i32>} : memref<8x32xi32, #tpu.memory_space<vmem>>, vector<1x16xi32>,
    %swap3A_231 = vector.shape_cast %swap3A_230 : vector<1x16xi32> to vector<16xi32>
    %swap3A_232 = vector.shape_cast %sub3A_226 : vector<16xi32> to vector<1x16xi32>
    tpu.vector_store %arg5[%swap3A_228, %swap3A_229], %swap3A_232 {strides = array<i32>} : memref<8x32xi32, #tpu.memory_space<vmem>>, vector<1x16xi32>,
    %sub3A_233 = arith.constant 14336 : i32
    %sub3A_234 = arith.subi %sub3A_233, %mul3A_2 : i32
    %sub3A_235 = arith.constant 32 : i32
    %sub3A_236 = arith.subi %sub3A_234, %sub3A_235 : i32
    %sub3A_237 = arith.constant 0 : i32
    %sub3A_238 = arith.subi %sub3A_236, %sub3A_237 : i32
    %iota3A_239 = tpu.iota {dimensions = array<i32: 0>} : vector<16xi32>
    %sub3A_240 = vector.broadcast %sub3A_238 : i32 to vector<16xi32>
    %sub3A_241 = arith.subi %sub3A_240, %iota3A_239 : vector<16xi32>
    %swap3A_242 = arith.constant 7 : i32
    %swap3A_243 = arith.index_cast %swap3A_242 : i32 to index
    %swap3A_244 = arith.constant 0 : index
    %swap3A_245 = tpu.vector_load %arg5[%swap3A_243, %swap3A_244] {strides = array<i32>} : memref<8x32xi32, #tpu.memory_space<vmem>>, vector<1x16xi32>,
    %swap3A_246 = vector.shape_cast %swap3A_245 : vector<1x16xi32> to vector<16xi32>
    %swap3A_247 = vector.shape_cast %sub3A_241 : vector<16xi32> to vector<1x16xi32>
    tpu.vector_store %arg5[%swap3A_243, %swap3A_244], %swap3A_247 {strides = array<i32>} : memref<8x32xi32, #tpu.memory_space<vmem>>, vector<1x16xi32>,
    %sub3A_248 = arith.constant 14336 : i32
    %sub3A_249 = arith.subi %sub3A_248, %mul3A_2 : i32
    %sub3A_250 = arith.constant 32 : i32
    %sub3A_251 = arith.subi %sub3A_249, %sub3A_250 : i32
    %sub3A_252 = arith.constant 16 : i32
    %sub3A_253 = arith.subi %sub3A_251, %sub3A_252 : i32
    %iota3A_254 = tpu.iota {dimensions = array<i32: 0>} : vector<16xi32>
    %sub3A_255 = vector.broadcast %sub3A_253 : i32 to vector<16xi32>
    %sub3A_256 = arith.subi %sub3A_255, %iota3A_254 : vector<16xi32>
    %swap3A_257 = arith.constant 7 : i32
    %swap3A_258 = arith.index_cast %swap3A_257 : i32 to index
    %swap3A_259 = arith.constant 16 : index
    %swap3A_260 = tpu.vector_load %arg5[%swap3A_258, %swap3A_259] {strides = array<i32>} : memref<8x32xi32, #tpu.memory_space<vmem>>, vector<1x16xi32>,
    %swap3A_261 = vector.shape_cast %swap3A_260 : vector<1x16xi32> to vector<16xi32>
    %swap3A_262 = vector.shape_cast %sub3A_256 : vector<16xi32> to vector<1x16xi32>
    tpu.vector_store %arg5[%swap3A_258, %swap3A_259], %swap3A_262 {strides = array<i32>} : memref<8x32xi32, #tpu.memory_space<vmem>>, vector<1x16xi32>,
    %add3A_263 = arith.constant 0 : i32
    %add3A_264 = arith.addi %mul3A_2, %add3A_263 : i32
    %dma_wait3A = arith.constant 0 : i32
    %dma_wait3A_265 = arith.constant 0 : i32
    %dma_wait3A_266 = tpu.memref_slice %arg4[%dma_wait3A, %dma_wait3A_265] : memref<64x1024xf32, #tpu.memory_space<vmem>> -> memref<32x1024xf32, #tpu.memory_space<vmem>>
    %dma_wait3A_267 = arith.constant 0 : i32
    %dma_wait3A_268 = tpu.memref_slice %arg2[%add3A_264, %dma_wait3A_267] : memref<4096x1024xf32, #tpu.memory_space<hbm>> -> memref<32x1024xf32, #tpu.memory_space<hbm>>
    %dma_wait3A_269 = arith.constant 0 : i32
    %dma_wait3A_270 = arith.constant 0 : i32
    %dma_wait3A_271 = tpu.memref_slice %arg4[%dma_wait3A_269, %dma_wait3A_270] : memref<64x1024xf32, #tpu.memory_space<vmem>> -> memref<32x1024xf32, #tpu.memory_space<vmem>>
    %dma_wait3A_272 = arith.constant 0 : i32
    %dma_wait3A_273 = tpu.memref_slice %arg2[%add3A_264, %dma_wait3A_272] : memref<4096x1024xf32, #tpu.memory_space<hbm>> -> memref<32x1024xf32, #tpu.memory_space<hbm>>
    tpu.wait_dma2 semaphore(%arg8 : memref<!tpu.dma_semaphore, #tpu.memory_space<semaphore_mem>>) src(%dma_wait3A_273 : memref<32x1024xf32, #tpu.memory_space<hbm>>) dst(%dma_wait3A_271 : memref<32x1024xf32, #tpu.memory_space<vmem>>)
    %add3A_274 = arith.constant 2048 : i32
    %add3A_275 = arith.addi %add3A_274, %mul3A_2 : i32
    %add3A_276 = arith.constant 0 : i32
    %add3A_277 = arith.addi %add3A_275, %add3A_276 : i32
    %dma_start3A_278 = arith.constant 0 : i32
    %dma_start3A_279 = arith.constant 0 : i32
    %dma_start3A_280 = tpu.memref_slice %arg4[%dma_start3A_278, %dma_start3A_279] : memref<64x1024xf32, #tpu.memory_space<vmem>> -> memref<32x1024xf32, #tpu.memory_space<vmem>>
    %dma_start3A_281 = arith.constant 0 : i32
    %dma_start3A_282 = tpu.memref_slice %arg3[%add3A_277, %dma_start3A_281] : memref<16384x1024xf32, #tpu.memory_space<hbm>> -> memref<32x1024xf32, #tpu.memory_space<hbm>>
    %dma_start3A_283 = arith.constant 0 : i32
    %dma_start3A_284 = tpu.memref_slice %arg3[%add3A_277, %dma_start3A_283] : memref<16384x1024xf32, #tpu.memory_space<hbm>> -> memref<32x1024xf32, #tpu.memory_space<hbm>>
    %dma_start3A_285 = arith.constant 0 : i32
    %dma_start3A_286 = arith.constant 0 : i32
    %dma_start3A_287 = tpu.memref_slice %arg4[%dma_start3A_285, %dma_start3A_286] : memref<64x1024xf32, #tpu.memory_space<vmem>> -> memref<32x1024xf32, #tpu.memory_space<vmem>>
    tpu.enqueue_dma source(%dma_start3A_287 : memref<32x1024xf32, #tpu.memory_space<vmem>>) target(%dma_start3A_284 : memref<32x1024xf32, #tpu.memory_space<hbm>>) target_semaphore(%arg7 : memref<!tpu.dma_semaphore, #tpu.memory_space<semaphore_mem>>)
    %dma_start3A_288 = arith.constant 0 : i32
    %dma_start3A_289 = arith.constant 0 : i32
    %dma_start3A_290 = arith.constant 0 : i32
    %dma_start3A_291 = tpu.memref_slice %arg4[%dma_start3A_289, %dma_start3A_290] : memref<64x1024xf32, #tpu.memory_space<vmem>> -> memref<32x1024xf32, #tpu.memory_space<vmem>>
    %dma_start3A_292 = arith.constant 0 : i32
    %dma_start3A_293 = tpu.memref_slice %arg5[%dma_start3A_288, %dma_start3A_292] : memref<8x32xi32, #tpu.memory_space<vmem>> -> memref<1x32xi32, #tpu.memory_space<vmem>>
    %dma_start3A_294 = tpu.memref_squeeze %dma_start3A_293 : memref<1x32xi32, #tpu.memory_space<vmem>> -> memref<32xi32, #tpu.memory_space<vmem>>
    %dma_start3A_295 = arith.constant 0 : i32
    %dma_start3A_296 = arith.constant 0 : i32
    %dma_start3A_297 = tpu.memref_slice %arg3[%dma_start3A_295, %dma_start3A_296] : memref<16384x1024xf32, #tpu.memory_space<hbm>> -> memref<16384x1024xf32, #tpu.memory_space<hbm>>
    tpu.enqueue_indirect_dma source(%dma_start3A_291 : memref<32x1024xf32, #tpu.memory_space<vmem>>) target(%dma_start3A_297 : memref<16384x1024xf32, #tpu.memory_space<hbm>>) offsets(%dma_start3A_294 : memref<32xi32, #tpu.memory_space<vmem>>) semaphore(%arg7 : memref<!tpu.dma_semaphore, #tpu.memory_space<semaphore_mem>>)
    %add3A_298 = arith.constant 6144 : i32
    %add3A_299 = arith.addi %add3A_298, %mul3A_2 : i32
    %add3A_300 = arith.constant 0 : i32
    %add3A_301 = arith.addi %add3A_299, %add3A_300 : i32
    %dma_start3A_302 = arith.constant 0 : i32
    %dma_start3A_303 = arith.constant 0 : i32
    %dma_start3A_304 = tpu.memref_slice %arg4[%dma_start3A_302, %dma_start3A_303] : memref<64x1024xf32, #tpu.memory_space<vmem>> -> memref<32x1024xf32, #tpu.memory_space<vmem>>
    %dma_start3A_305 = arith.constant 0 : i32
    %dma_start3A_306 = tpu.memref_slice %arg3[%add3A_301, %dma_start3A_305] : memref<16384x1024xf32, #tpu.memory_space<hbm>> -> memref<32x1024xf32, #tpu.memory_space<hbm>>
    %dma_start3A_307 = arith.constant 0 : i32
    %dma_start3A_308 = tpu.memref_slice %arg3[%add3A_301, %dma_start3A_307] : memref<16384x1024xf32, #tpu.memory_space<hbm>> -> memref<32x1024xf32, #tpu.memory_space<hbm>>
    %dma_start3A_309 = arith.constant 0 : i32
    %dma_start3A_310 = arith.constant 0 : i32
    %dma_start3A_311 = tpu.memref_slice %arg4[%dma_start3A_309, %dma_start3A_310] : memref<64x1024xf32, #tpu.memory_space<vmem>> -> memref<32x1024xf32, #tpu.memory_space<vmem>>
    tpu.enqueue_dma source(%dma_start3A_311 : memref<32x1024xf32, #tpu.memory_space<vmem>>) target(%dma_start3A_308 : memref<32x1024xf32, #tpu.memory_space<hbm>>) target_semaphore(%arg7 : memref<!tpu.dma_semaphore, #tpu.memory_space<semaphore_mem>>)
    %dma_start3A_312 = arith.constant 2 : i32
    %dma_start3A_313 = arith.constant 0 : i32
    %dma_start3A_314 = arith.constant 0 : i32
    %dma_start3A_315 = tpu.memref_slice %arg4[%dma_start3A_313, %dma_start3A_314] : memref<64x1024xf32, #tpu.memory_space<vmem>> -> memref<32x1024xf32, #tpu.memory_space<vmem>>
    %dma_start3A_316 = arith.constant 0 : i32
    %dma_start3A_317 = tpu.memref_slice %arg5[%dma_start3A_312, %dma_start3A_316] : memref<8x32xi32, #tpu.memory_space<vmem>> -> memref<1x32xi32, #tpu.memory_space<vmem>>
    %dma_start3A_318 = tpu.memref_squeeze %dma_start3A_317 : memref<1x32xi32, #tpu.memory_space<vmem>> -> memref<32xi32, #tpu.memory_space<vmem>>
    %dma_start3A_319 = arith.constant 0 : i32
    %dma_start3A_320 = arith.constant 0 : i32
    %dma_start3A_321 = tpu.memref_slice %arg3[%dma_start3A_319, %dma_start3A_320] : memref<16384x1024xf32, #tpu.memory_space<hbm>> -> memref<16384x1024xf32, #tpu.memory_space<hbm>>
    tpu.enqueue_indirect_dma source(%dma_start3A_315 : memref<32x1024xf32, #tpu.memory_space<vmem>>) target(%dma_start3A_321 : memref<16384x1024xf32, #tpu.memory_space<hbm>>) offsets(%dma_start3A_318 : memref<32xi32, #tpu.memory_space<vmem>>) semaphore(%arg7 : memref<!tpu.dma_semaphore, #tpu.memory_space<semaphore_mem>>)
    %add3A_322 = arith.constant 10240 : i32
    %add3A_323 = arith.addi %add3A_322, %mul3A_2 : i32
    %add3A_324 = arith.constant 0 : i32
    %add3A_325 = arith.addi %add3A_323, %add3A_324 : i32
    %dma_start3A_326 = arith.constant 0 : i32
    %dma_start3A_327 = arith.constant 0 : i32
    %dma_start3A_328 = tpu.memref_slice %arg4[%dma_start3A_326, %dma_start3A_327] : memref<64x1024xf32, #tpu.memory_space<vmem>> -> memref<32x1024xf32, #tpu.memory_space<vmem>>
    %dma_start3A_329 = arith.constant 0 : i32
    %dma_start3A_330 = tpu.memref_slice %arg3[%add3A_325, %dma_start3A_329] : memref<16384x1024xf32, #tpu.memory_space<hbm>> -> memref<32x1024xf32, #tpu.memory_space<hbm>>
    %dma_start3A_331 = arith.constant 0 : i32
    %dma_start3A_332 = tpu.memref_slice %arg3[%add3A_325, %dma_start3A_331] : memref<16384x1024xf32, #tpu.memory_space<hbm>> -> memref<32x1024xf32, #tpu.memory_space<hbm>>
    %dma_start3A_333 = arith.constant 0 : i32
    %dma_start3A_334 = arith.constant 0 : i32
    %dma_start3A_335 = tpu.memref_slice %arg4[%dma_start3A_333, %dma_start3A_334] : memref<64x1024xf32, #tpu.memory_space<vmem>> -> memref<32x1024xf32, #tpu.memory_space<vmem>>
    tpu.enqueue_dma source(%dma_start3A_335 : memref<32x1024xf32, #tpu.memory_space<vmem>>) target(%dma_start3A_332 : memref<32x1024xf32, #tpu.memory_space<hbm>>) target_semaphore(%arg7 : memref<!tpu.dma_semaphore, #tpu.memory_space<semaphore_mem>>)
    %dma_start3A_336 = arith.constant 4 : i32
    %dma_start3A_337 = arith.constant 0 : i32
    %dma_start3A_338 = arith.constant 0 : i32
    %dma_start3A_339 = tpu.memref_slice %arg4[%dma_start3A_337, %dma_start3A_338] : memref<64x1024xf32, #tpu.memory_space<vmem>> -> memref<32x1024xf32, #tpu.memory_space<vmem>>
    %dma_start3A_340 = arith.constant 0 : i32
    %dma_start3A_341 = tpu.memref_slice %arg5[%dma_start3A_336, %dma_start3A_340] : memref<8x32xi32, #tpu.memory_space<vmem>> -> memref<1x32xi32, #tpu.memory_space<vmem>>
    %dma_start3A_342 = tpu.memref_squeeze %dma_start3A_341 : memref<1x32xi32, #tpu.memory_space<vmem>> -> memref<32xi32, #tpu.memory_space<vmem>>
    %dma_start3A_343 = arith.constant 0 : i32
    %dma_start3A_344 = arith.constant 0 : i32
    %dma_start3A_345 = tpu.memref_slice %arg3[%dma_start3A_343, %dma_start3A_344] : memref<16384x1024xf32, #tpu.memory_space<hbm>> -> memref<16384x1024xf32, #tpu.memory_space<hbm>>
    tpu.enqueue_indirect_dma source(%dma_start3A_339 : memref<32x1024xf32, #tpu.memory_space<vmem>>) target(%dma_start3A_345 : memref<16384x1024xf32, #tpu.memory_space<hbm>>) offsets(%dma_start3A_342 : memref<32xi32, #tpu.memory_space<vmem>>) semaphore(%arg7 : memref<!tpu.dma_semaphore, #tpu.memory_space<semaphore_mem>>)
    %add3A_346 = arith.constant 14336 : i32
    %add3A_347 = arith.addi %add3A_346, %mul3A_2 : i32
    %add3A_348 = arith.constant 0 : i32
    %add3A_349 = arith.addi %add3A_347, %add3A_348 : i32
    %dma_start3A_350 = arith.constant 0 : i32
    %dma_start3A_351 = arith.constant 0 : i32
    %dma_start3A_352 = tpu.memref_slice %arg4[%dma_start3A_350, %dma_start3A_351] : memref<64x1024xf32, #tpu.memory_space<vmem>> -> memref<32x1024xf32, #tpu.memory_space<vmem>>
    %dma_start3A_353 = arith.constant 0 : i32
    %dma_start3A_354 = tpu.memref_slice %arg3[%add3A_349, %dma_start3A_353] : memref<16384x1024xf32, #tpu.memory_space<hbm>> -> memref<32x1024xf32, #tpu.memory_space<hbm>>
    %dma_start3A_355 = arith.constant 0 : i32
    %dma_start3A_356 = tpu.memref_slice %arg3[%add3A_349, %dma_start3A_355] : memref<16384x1024xf32, #tpu.memory_space<hbm>> -> memref<32x1024xf32, #tpu.memory_space<hbm>>
    %dma_start3A_357 = arith.constant 0 : i32
    %dma_start3A_358 = arith.constant 0 : i32
    %dma_start3A_359 = tpu.memref_slice %arg4[%dma_start3A_357, %dma_start3A_358] : memref<64x1024xf32, #tpu.memory_space<vmem>> -> memref<32x1024xf32, #tpu.memory_space<vmem>>
    tpu.enqueue_dma source(%dma_start3A_359 : memref<32x1024xf32, #tpu.memory_space<vmem>>) target(%dma_start3A_356 : memref<32x1024xf32, #tpu.memory_space<hbm>>) target_semaphore(%arg7 : memref<!tpu.dma_semaphore, #tpu.memory_space<semaphore_mem>>)
    %dma_start3A_360 = arith.constant 6 : i32
    %dma_start3A_361 = arith.constant 0 : i32
    %dma_start3A_362 = arith.constant 0 : i32
    %dma_start3A_363 = tpu.memref_slice %arg4[%dma_start3A_361, %dma_start3A_362] : memref<64x1024xf32, #tpu.memory_space<vmem>> -> memref<32x1024xf32, #tpu.memory_space<vmem>>
    %dma_start3A_364 = arith.constant 0 : i32
    %dma_start3A_365 = tpu.memref_slice %arg5[%dma_start3A_360, %dma_start3A_364] : memref<8x32xi32, #tpu.memory_space<vmem>> -> memref<1x32xi32, #tpu.memory_space<vmem>>
    %dma_start3A_366 = tpu.memref_squeeze %dma_start3A_365 : memref<1x32xi32, #tpu.memory_space<vmem>> -> memref<32xi32, #tpu.memory_space<vmem>>
    %dma_start3A_367 = arith.constant 0 : i32
    %dma_start3A_368 = arith.constant 0 : i32
    %dma_start3A_369 = tpu.memref_slice %arg3[%dma_start3A_367, %dma_start3A_368] : memref<16384x1024xf32, #tpu.memory_space<hbm>> -> memref<16384x1024xf32, #tpu.memory_space<hbm>>
    tpu.enqueue_indirect_dma source(%dma_start3A_363 : memref<32x1024xf32, #tpu.memory_space<vmem>>) target(%dma_start3A_369 : memref<16384x1024xf32, #tpu.memory_space<hbm>>) offsets(%dma_start3A_366 : memref<32xi32, #tpu.memory_space<vmem>>) semaphore(%arg7 : memref<!tpu.dma_semaphore, #tpu.memory_space<semaphore_mem>>)
    %add3A_370 = arith.constant 32 : i32
    %add3A_371 = arith.addi %mul3A_2, %add3A_370 : i32
    %dma_wait3A_372 = arith.constant 32 : i32
    %dma_wait3A_373 = arith.constant 0 : i32
    %dma_wait3A_374 = tpu.memref_slice %arg4[%dma_wait3A_372, %dma_wait3A_373] : memref<64x1024xf32, #tpu.memory_space<vmem>> -> memref<32x1024xf32, #tpu.memory_space<vmem>>
    %dma_wait3A_375 = arith.constant 0 : i32
    %dma_wait3A_376 = tpu.memref_slice %arg2[%add3A_371, %dma_wait3A_375] : memref<4096x1024xf32, #tpu.memory_space<hbm>> -> memref<32x1024xf32, #tpu.memory_space<hbm>>
    %dma_wait3A_377 = arith.constant 32 : i32
    %dma_wait3A_378 = arith.constant 0 : i32
    %dma_wait3A_379 = tpu.memref_slice %arg4[%dma_wait3A_377, %dma_wait3A_378] : memref<64x1024xf32, #tpu.memory_space<vmem>> -> memref<32x1024xf32, #tpu.memory_space<vmem>>
    %dma_wait3A_380 = arith.constant 0 : i32
    %dma_wait3A_381 = tpu.memref_slice %arg2[%add3A_371, %dma_wait3A_380] : memref<4096x1024xf32, #tpu.memory_space<hbm>> -> memref<32x1024xf32, #tpu.memory_space<hbm>>
    tpu.wait_dma2 semaphore(%arg8 : memref<!tpu.dma_semaphore, #tpu.memory_space<semaphore_mem>>) src(%dma_wait3A_381 : memref<32x1024xf32, #tpu.memory_space<hbm>>) dst(%dma_wait3A_379 : memref<32x1024xf32, #tpu.memory_space<vmem>>)
    %add3A_382 = arith.constant 2048 : i32
    %add3A_383 = arith.addi %add3A_382, %mul3A_2 : i32
    %add3A_384 = arith.constant 32 : i32
    %add3A_385 = arith.addi %add3A_383, %add3A_384 : i32
    %dma_start3A_386 = arith.constant 32 : i32
    %dma_start3A_387 = arith.constant 0 : i32
    %dma_start3A_388 = tpu.memref_slice %arg4[%dma_start3A_386, %dma_start3A_387] : memref<64x1024xf32, #tpu.memory_space<vmem>> -> memref<32x1024xf32, #tpu.memory_space<vmem>>
    %dma_start3A_389 = arith.constant 0 : i32
    %dma_start3A_390 = tpu.memref_slice %arg3[%add3A_385, %dma_start3A_389] : memref<16384x1024xf32, #tpu.memory_space<hbm>> -> memref<32x1024xf32, #tpu.memory_space<hbm>>
    %dma_start3A_391 = arith.constant 0 : i32
    %dma_start3A_392 = tpu.memref_slice %arg3[%add3A_385, %dma_start3A_391] : memref<16384x1024xf32, #tpu.memory_space<hbm>> -> memref<32x1024xf32, #tpu.memory_space<hbm>>
    %dma_start3A_393 = arith.constant 32 : i32
    %dma_start3A_394 = arith.constant 0 : i32
    %dma_start3A_395 = tpu.memref_slice %arg4[%dma_start3A_393, %dma_start3A_394] : memref<64x1024xf32, #tpu.memory_space<vmem>> -> memref<32x1024xf32, #tpu.memory_space<vmem>>
    tpu.enqueue_dma source(%dma_start3A_395 : memref<32x1024xf32, #tpu.memory_space<vmem>>) target(%dma_start3A_392 : memref<32x1024xf32, #tpu.memory_space<hbm>>) target_semaphore(%arg7 : memref<!tpu.dma_semaphore, #tpu.memory_space<semaphore_mem>>)
    %dma_start3A_396 = arith.constant 1 : i32
    %dma_start3A_397 = arith.constant 32 : i32
    %dma_start3A_398 = arith.constant 0 : i32
    %dma_start3A_399 = tpu.memref_slice %arg4[%dma_start3A_397, %dma_start3A_398] : memref<64x1024xf32, #tpu.memory_space<vmem>> -> memref<32x1024xf32, #tpu.memory_space<vmem>>
    %dma_start3A_400 = arith.constant 0 : i32
    %dma_start3A_401 = tpu.memref_slice %arg5[%dma_start3A_396, %dma_start3A_400] : memref<8x32xi32, #tpu.memory_space<vmem>> -> memref<1x32xi32, #tpu.memory_space<vmem>>
    %dma_start3A_402 = tpu.memref_squeeze %dma_start3A_401 : memref<1x32xi32, #tpu.memory_space<vmem>> -> memref<32xi32, #tpu.memory_space<vmem>>
    %dma_start3A_403 = arith.constant 0 : i32
    %dma_start3A_404 = arith.constant 0 : i32
    %dma_start3A_405 = tpu.memref_slice %arg3[%dma_start3A_403, %dma_start3A_404] : memref<16384x1024xf32, #tpu.memory_space<hbm>> -> memref<16384x1024xf32, #tpu.memory_space<hbm>>
    tpu.enqueue_indirect_dma source(%dma_start3A_399 : memref<32x1024xf32, #tpu.memory_space<vmem>>) target(%dma_start3A_405 : memref<16384x1024xf32, #tpu.memory_space<hbm>>) offsets(%dma_start3A_402 : memref<32xi32, #tpu.memory_space<vmem>>) semaphore(%arg7 : memref<!tpu.dma_semaphore, #tpu.memory_space<semaphore_mem>>)
    %add3A_406 = arith.constant 6144 : i32
    %add3A_407 = arith.addi %add3A_406, %mul3A_2 : i32
    %add3A_408 = arith.constant 32 : i32
    %add3A_409 = arith.addi %add3A_407, %add3A_408 : i32
    %dma_start3A_410 = arith.constant 32 : i32
    %dma_start3A_411 = arith.constant 0 : i32
    %dma_start3A_412 = tpu.memref_slice %arg4[%dma_start3A_410, %dma_start3A_411] : memref<64x1024xf32, #tpu.memory_space<vmem>> -> memref<32x1024xf32, #tpu.memory_space<vmem>>
    %dma_start3A_413 = arith.constant 0 : i32
    %dma_start3A_414 = tpu.memref_slice %arg3[%add3A_409, %dma_start3A_413] : memref<16384x1024xf32, #tpu.memory_space<hbm>> -> memref<32x1024xf32, #tpu.memory_space<hbm>>
    %dma_start3A_415 = arith.constant 0 : i32
    %dma_start3A_416 = tpu.memref_slice %arg3[%add3A_409, %dma_start3A_415] : memref<16384x1024xf32, #tpu.memory_space<hbm>> -> memref<32x1024xf32, #tpu.memory_space<hbm>>
    %dma_start3A_417 = arith.constant 32 : i32
    %dma_start3A_418 = arith.constant 0 : i32
    %dma_start3A_419 = tpu.memref_slice %arg4[%dma_start3A_417, %dma_start3A_418] : memref<64x1024xf32, #tpu.memory_space<vmem>> -> memref<32x1024xf32, #tpu.memory_space<vmem>>
    tpu.enqueue_dma source(%dma_start3A_419 : memref<32x1024xf32, #tpu.memory_space<vmem>>) target(%dma_start3A_416 : memref<32x1024xf32, #tpu.memory_space<hbm>>) target_semaphore(%arg7 : memref<!tpu.dma_semaphore, #tpu.memory_space<semaphore_mem>>)
    %dma_start3A_420 = arith.constant 3 : i32
    %dma_start3A_421 = arith.constant 32 : i32
    %dma_start3A_422 = arith.constant 0 : i32
    %dma_start3A_423 = tpu.memref_slice %arg4[%dma_start3A_421, %dma_start3A_422] : memref<64x1024xf32, #tpu.memory_space<vmem>> -> memref<32x1024xf32, #tpu.memory_space<vmem>>
    %dma_start3A_424 = arith.constant 0 : i32
    %dma_start3A_425 = tpu.memref_slice %arg5[%dma_start3A_420, %dma_start3A_424] : memref<8x32xi32, #tpu.memory_space<vmem>> -> memref<1x32xi32, #tpu.memory_space<vmem>>
    %dma_start3A_426 = tpu.memref_squeeze %dma_start3A_425 : memref<1x32xi32, #tpu.memory_space<vmem>> -> memref<32xi32, #tpu.memory_space<vmem>>
    %dma_start3A_427 = arith.constant 0 : i32
    %dma_start3A_428 = arith.constant 0 : i32
    %dma_start3A_429 = tpu.memref_slice %arg3[%dma_start3A_427, %dma_start3A_428] : memref<16384x1024xf32, #tpu.memory_space<hbm>> -> memref<16384x1024xf32, #tpu.memory_space<hbm>>
    tpu.enqueue_indirect_dma source(%dma_start3A_423 : memref<32x1024xf32, #tpu.memory_space<vmem>>) target(%dma_start3A_429 : memref<16384x1024xf32, #tpu.memory_space<hbm>>) offsets(%dma_start3A_426 : memref<32xi32, #tpu.memory_space<vmem>>) semaphore(%arg7 : memref<!tpu.dma_semaphore, #tpu.memory_space<semaphore_mem>>)
    %add3A_430 = arith.constant 10240 : i32
    %add3A_431 = arith.addi %add3A_430, %mul3A_2 : i32
    %add3A_432 = arith.constant 32 : i32
    %add3A_433 = arith.addi %add3A_431, %add3A_432 : i32
    %dma_start3A_434 = arith.constant 32 : i32
    %dma_start3A_435 = arith.constant 0 : i32
    %dma_start3A_436 = tpu.memref_slice %arg4[%dma_start3A_434, %dma_start3A_435] : memref<64x1024xf32, #tpu.memory_space<vmem>> -> memref<32x1024xf32, #tpu.memory_space<vmem>>
    %dma_start3A_437 = arith.constant 0 : i32
    %dma_start3A_438 = tpu.memref_slice %arg3[%add3A_433, %dma_start3A_437] : memref<16384x1024xf32, #tpu.memory_space<hbm>> -> memref<32x1024xf32, #tpu.memory_space<hbm>>
    %dma_start3A_439 = arith.constant 0 : i32
    %dma_start3A_440 = tpu.memref_slice %arg3[%add3A_433, %dma_start3A_439] : memref<16384x1024xf32, #tpu.memory_space<hbm>> -> memref<32x1024xf32, #tpu.memory_space<hbm>>
    %dma_start3A_441 = arith.constant 32 : i32
    %dma_start3A_442 = arith.constant 0 : i32
    %dma_start3A_443 = tpu.memref_slice %arg4[%dma_start3A_441, %dma_start3A_442] : memref<64x1024xf32, #tpu.memory_space<vmem>> -> memref<32x1024xf32, #tpu.memory_space<vmem>>
    tpu.enqueue_dma source(%dma_start3A_443 : memref<32x1024xf32, #tpu.memory_space<vmem>>) target(%dma_start3A_440 : memref<32x1024xf32, #tpu.memory_space<hbm>>) target_semaphore(%arg7 : memref<!tpu.dma_semaphore, #tpu.memory_space<semaphore_mem>>)
    %dma_start3A_444 = arith.constant 5 : i32
    %dma_start3A_445 = arith.constant 32 : i32
    %dma_start3A_446 = arith.constant 0 : i32
    %dma_start3A_447 = tpu.memref_slice %arg4[%dma_start3A_445, %dma_start3A_446] : memref<64x1024xf32, #tpu.memory_space<vmem>> -> memref<32x1024xf32, #tpu.memory_space<vmem>>
    %dma_start3A_448 = arith.constant 0 : i32
    %dma_start3A_449 = tpu.memref_slice %arg5[%dma_start3A_444, %dma_start3A_448] : memref<8x32xi32, #tpu.memory_space<vmem>> -> memref<1x32xi32, #tpu.memory_space<vmem>>
    %dma_start3A_450 = tpu.memref_squeeze %dma_start3A_449 : memref<1x32xi32, #tpu.memory_space<vmem>> -> memref<32xi32, #tpu.memory_space<vmem>>
    %dma_start3A_451 = arith.constant 0 : i32
    %dma_start3A_452 = arith.constant 0 : i32
    %dma_start3A_453 = tpu.memref_slice %arg3[%dma_start3A_451, %dma_start3A_452] : memref<16384x1024xf32, #tpu.memory_space<hbm>> -> memref<16384x1024xf32, #tpu.memory_space<hbm>>
    tpu.enqueue_indirect_dma source(%dma_start3A_447 : memref<32x1024xf32, #tpu.memory_space<vmem>>) target(%dma_start3A_453 : memref<16384x1024xf32, #tpu.memory_space<hbm>>) offsets(%dma_start3A_450 : memref<32xi32, #tpu.memory_space<vmem>>) semaphore(%arg7 : memref<!tpu.dma_semaphore, #tpu.memory_space<semaphore_mem>>)
    %add3A_454 = arith.constant 14336 : i32
    %add3A_455 = arith.addi %add3A_454, %mul3A_2 : i32
    %add3A_456 = arith.constant 32 : i32
    %add3A_457 = arith.addi %add3A_455, %add3A_456 : i32
    %dma_start3A_458 = arith.constant 32 : i32
    %dma_start3A_459 = arith.constant 0 : i32
    %dma_start3A_460 = tpu.memref_slice %arg4[%dma_start3A_458, %dma_start3A_459] : memref<64x1024xf32, #tpu.memory_space<vmem>> -> memref<32x1024xf32, #tpu.memory_space<vmem>>
    %dma_start3A_461 = arith.constant 0 : i32
    %dma_start3A_462 = tpu.memref_slice %arg3[%add3A_457, %dma_start3A_461] : memref<16384x1024xf32, #tpu.memory_space<hbm>> -> memref<32x1024xf32, #tpu.memory_space<hbm>>
    %dma_start3A_463 = arith.constant 0 : i32
    %dma_start3A_464 = tpu.memref_slice %arg3[%add3A_457, %dma_start3A_463] : memref<16384x1024xf32, #tpu.memory_space<hbm>> -> memref<32x1024xf32, #tpu.memory_space<hbm>>
    %dma_start3A_465 = arith.constant 32 : i32
    %dma_start3A_466 = arith.constant 0 : i32
    %dma_start3A_467 = tpu.memref_slice %arg4[%dma_start3A_465, %dma_start3A_466] : memref<64x1024xf32, #tpu.memory_space<vmem>> -> memref<32x1024xf32, #tpu.memory_space<vmem>>
    tpu.enqueue_dma source(%dma_start3A_467 : memref<32x1024xf32, #tpu.memory_space<vmem>>) target(%dma_start3A_464 : memref<32x1024xf32, #tpu.memory_space<hbm>>) target_semaphore(%arg7 : memref<!tpu.dma_semaphore, #tpu.memory_space<semaphore_mem>>)
    %dma_start3A_468 = arith.constant 7 : i32
    %dma_start3A_469 = arith.constant 32 : i32
    %dma_start3A_470 = arith.constant 0 : i32
    %dma_start3A_471 = tpu.memref_slice %arg4[%dma_start3A_469, %dma_start3A_470] : memref<64x1024xf32, #tpu.memory_space<vmem>> -> memref<32x1024xf32, #tpu.memory_space<vmem>>
    %dma_start3A_472 = arith.constant 0 : i32
    %dma_start3A_473 = tpu.memref_slice %arg5[%dma_start3A_468, %dma_start3A_472] : memref<8x32xi32, #tpu.memory_space<vmem>> -> memref<1x32xi32, #tpu.memory_space<vmem>>
    %dma_start3A_474 = tpu.memref_squeeze %dma_start3A_473 : memref<1x32xi32, #tpu.memory_space<vmem>> -> memref<32xi32, #tpu.memory_space<vmem>>
    %dma_start3A_475 = arith.constant 0 : i32
    %dma_start3A_476 = arith.constant 0 : i32
    %dma_start3A_477 = tpu.memref_slice %arg3[%dma_start3A_475, %dma_start3A_476] : memref<16384x1024xf32, #tpu.memory_space<hbm>> -> memref<16384x1024xf32, #tpu.memory_space<hbm>>
    tpu.enqueue_indirect_dma source(%dma_start3A_471 : memref<32x1024xf32, #tpu.memory_space<vmem>>) target(%dma_start3A_477 : memref<16384x1024xf32, #tpu.memory_space<hbm>>) offsets(%dma_start3A_474 : memref<32xi32, #tpu.memory_space<vmem>>) semaphore(%arg7 : memref<!tpu.dma_semaphore, #tpu.memory_space<semaphore_mem>>)
    %convert_element_type3A_478 = arith.extui %eq3A_3 : i1 to i32
    %cond3A_479 = arith.constant 0 : i32
    %cond3A_480 = arith.cmpi ne, %convert_element_type3A_478, %cond3A_479 : i32
    scf.if %cond3A_480 {
      %dma_wait3A_641 = arith.constant 2048 : i32
      %dma_wait3A_642 = arith.constant 0 : i32
      %dma_wait3A_643 = tpu.memref_slice %arg2[%dma_wait3A_641, %dma_wait3A_642] : memref<4096x1024xf32, #tpu.memory_space<hbm>> -> memref<1x1024xf32, #tpu.memory_space<hbm>>
      %dma_wait3A_644 = arith.constant 2048 : i32
      %dma_wait3A_645 = arith.constant 0 : i32
      %dma_wait3A_646 = tpu.memref_slice %arg2[%dma_wait3A_644, %dma_wait3A_645] : memref<4096x1024xf32, #tpu.memory_space<hbm>> -> memref<1x1024xf32, #tpu.memory_space<hbm>>
      tpu.wait_dma2 semaphore(%arg8 : memref<!tpu.dma_semaphore, #tpu.memory_space<semaphore_mem>>) src(%dma_wait3A_646 : memref<1x1024xf32, #tpu.memory_space<hbm>>) dst(%arg6 : memref<1x1024xf32, #tpu.memory_space<vmem>>)
      %dma_start3A_647 = arith.constant 0 : i32
      %dma_start3A_648 = arith.constant 0 : i32
      %dma_start3A_649 = tpu.memref_slice %arg3[%dma_start3A_647, %dma_start3A_648] : memref<16384x1024xf32, #tpu.memory_space<hbm>> -> memref<1x1024xf32, #tpu.memory_space<hbm>>
      %dma_start3A_650 = arith.constant 0 : i32
      %dma_start3A_651 = arith.constant 0 : i32
      %dma_start3A_652 = tpu.memref_slice %arg3[%dma_start3A_650, %dma_start3A_651] : memref<16384x1024xf32, #tpu.memory_space<hbm>> -> memref<1x1024xf32, #tpu.memory_space<hbm>>
      tpu.enqueue_dma source(%arg6 : memref<1x1024xf32, #tpu.memory_space<vmem>>) target(%dma_start3A_652 : memref<1x1024xf32, #tpu.memory_space<hbm>>) target_semaphore(%arg7 : memref<!tpu.dma_semaphore, #tpu.memory_space<semaphore_mem>>)
      %dma_wait3A_653 = arith.constant 0 : i32
      %dma_wait3A_654 = arith.constant 0 : i32
      %dma_wait3A_655 = tpu.memref_slice %arg3[%dma_wait3A_653, %dma_wait3A_654] : memref<16384x1024xf32, #tpu.memory_space<hbm>> -> memref<1x1024xf32, #tpu.memory_space<hbm>>
      %dma_wait3A_656 = arith.constant 0 : i32
      %dma_wait3A_657 = arith.constant 0 : i32
      %dma_wait3A_658 = tpu.memref_slice %arg3[%dma_wait3A_656, %dma_wait3A_657] : memref<16384x1024xf32, #tpu.memory_space<hbm>> -> memref<1x1024xf32, #tpu.memory_space<hbm>>
      tpu.wait_dma2 semaphore(%arg7 : memref<!tpu.dma_semaphore, #tpu.memory_space<semaphore_mem>>) src(%arg6 : memref<1x1024xf32, #tpu.memory_space<vmem>>) dst(%dma_wait3A_658 : memref<1x1024xf32, #tpu.memory_space<hbm>>)
      %dma_start3A_659 = arith.constant 4096 : i32
      %dma_start3A_660 = arith.constant 0 : i32
      %dma_start3A_661 = tpu.memref_slice %arg3[%dma_start3A_659, %dma_start3A_660] : memref<16384x1024xf32, #tpu.memory_space<hbm>> -> memref<1x1024xf32, #tpu.memory_space<hbm>>
      %dma_start3A_662 = arith.constant 4096 : i32
      %dma_start3A_663 = arith.constant 0 : i32
      %dma_start3A_664 = tpu.memref_slice %arg3[%dma_start3A_662, %dma_start3A_663] : memref<16384x1024xf32, #tpu.memory_space<hbm>> -> memref<1x1024xf32, #tpu.memory_space<hbm>>
      tpu.enqueue_dma source(%arg6 : memref<1x1024xf32, #tpu.memory_space<vmem>>) target(%dma_start3A_664 : memref<1x1024xf32, #tpu.memory_space<hbm>>) target_semaphore(%arg7 : memref<!tpu.dma_semaphore, #tpu.memory_space<semaphore_mem>>)
      %dma_wait3A_665 = arith.constant 4096 : i32
      %dma_wait3A_666 = arith.constant 0 : i32
      %dma_wait3A_667 = tpu.memref_slice %arg3[%dma_wait3A_665, %dma_wait3A_666] : memref<16384x1024xf32, #tpu.memory_space<hbm>> -> memref<1x1024xf32, #tpu.memory_space<hbm>>
      %dma_wait3A_668 = arith.constant 4096 : i32
      %dma_wait3A_669 = arith.constant 0 : i32
      %dma_wait3A_670 = tpu.memref_slice %arg3[%dma_wait3A_668, %dma_wait3A_669] : memref<16384x1024xf32, #tpu.memory_space<hbm>> -> memref<1x1024xf32, #tpu.memory_space<hbm>>
      tpu.wait_dma2 semaphore(%arg7 : memref<!tpu.dma_semaphore, #tpu.memory_space<semaphore_mem>>) src(%arg6 : memref<1x1024xf32, #tpu.memory_space<vmem>>) dst(%dma_wait3A_670 : memref<1x1024xf32, #tpu.memory_space<hbm>>)
      %dma_start3A_671 = arith.constant 8192 : i32
      %dma_start3A_672 = arith.constant 0 : i32
      %dma_start3A_673 = tpu.memref_slice %arg3[%dma_start3A_671, %dma_start3A_672] : memref<16384x1024xf32, #tpu.memory_space<hbm>> -> memref<1x1024xf32, #tpu.memory_space<hbm>>
      %dma_start3A_674 = arith.constant 8192 : i32
      %dma_start3A_675 = arith.constant 0 : i32
      %dma_start3A_676 = tpu.memref_slice %arg3[%dma_start3A_674, %dma_start3A_675] : memref<16384x1024xf32, #tpu.memory_space<hbm>> -> memref<1x1024xf32, #tpu.memory_space<hbm>>
      tpu.enqueue_dma source(%arg6 : memref<1x1024xf32, #tpu.memory_space<vmem>>) target(%dma_start3A_676 : memref<1x1024xf32, #tpu.memory_space<hbm>>) target_semaphore(%arg7 : memref<!tpu.dma_semaphore, #tpu.memory_space<semaphore_mem>>)
      %dma_wait3A_677 = arith.constant 8192 : i32
      %dma_wait3A_678 = arith.constant 0 : i32
      %dma_wait3A_679 = tpu.memref_slice %arg3[%dma_wait3A_677, %dma_wait3A_678] : memref<16384x1024xf32, #tpu.memory_space<hbm>> -> memref<1x1024xf32, #tpu.memory_space<hbm>>
      %dma_wait3A_680 = arith.constant 8192 : i32
      %dma_wait3A_681 = arith.constant 0 : i32
      %dma_wait3A_682 = tpu.memref_slice %arg3[%dma_wait3A_680, %dma_wait3A_681] : memref<16384x1024xf32, #tpu.memory_space<hbm>> -> memref<1x1024xf32, #tpu.memory_space<hbm>>
      tpu.wait_dma2 semaphore(%arg7 : memref<!tpu.dma_semaphore, #tpu.memory_space<semaphore_mem>>) src(%arg6 : memref<1x1024xf32, #tpu.memory_space<vmem>>) dst(%dma_wait3A_682 : memref<1x1024xf32, #tpu.memory_space<hbm>>)
      %dma_start3A_683 = arith.constant 12288 : i32
      %dma_start3A_684 = arith.constant 0 : i32
      %dma_start3A_685 = tpu.memref_slice %arg3[%dma_start3A_683, %dma_start3A_684] : memref<16384x1024xf32, #tpu.memory_space<hbm>> -> memref<1x1024xf32, #tpu.memory_space<hbm>>
      %dma_start3A_686 = arith.constant 12288 : i32
      %dma_start3A_687 = arith.constant 0 : i32
      %dma_start3A_688 = tpu.memref_slice %arg3[%dma_start3A_686, %dma_start3A_687] : memref<16384x1024xf32, #tpu.memory_space<hbm>> -> memref<1x1024xf32, #tpu.memory_space<hbm>>
      tpu.enqueue_dma source(%arg6 : memref<1x1024xf32, #tpu.memory_space<vmem>>) target(%dma_start3A_688 : memref<1x1024xf32, #tpu.memory_space<hbm>>) target_semaphore(%arg7 : memref<!tpu.dma_semaphore, #tpu.memory_space<semaphore_mem>>)
      %dma_wait3A_689 = arith.constant 12288 : i32
      %dma_wait3A_690 = arith.constant 0 : i32
      %dma_wait3A_691 = tpu.memref_slice %arg3[%dma_wait3A_689, %dma_wait3A_690] : memref<16384x1024xf32, #tpu.memory_space<hbm>> -> memref<1x1024xf32, #tpu.memory_space<hbm>>
      %dma_wait3A_692 = arith.constant 12288 : i32
      %dma_wait3A_693 = arith.constant 0 : i32
      %dma_wait3A_694 = tpu.memref_slice %arg3[%dma_wait3A_692, %dma_wait3A_693] : memref<16384x1024xf32, #tpu.memory_space<hbm>> -> memref<1x1024xf32, #tpu.memory_space<hbm>>
      tpu.wait_dma2 semaphore(%arg7 : memref<!tpu.dma_semaphore, #tpu.memory_space<semaphore_mem>>) src(%arg6 : memref<1x1024xf32, #tpu.memory_space<vmem>>) dst(%dma_wait3A_694 : memref<1x1024xf32, #tpu.memory_space<hbm>>)
    } else {
    }
    %dma_wait3A_481 = arith.constant 0 : i32
    %dma_wait3A_482 = arith.constant 0 : i32
    %dma_wait3A_483 = tpu.memref_slice %arg4[%dma_wait3A_481, %dma_wait3A_482] : memref<64x1024xf32, #tpu.memory_space<vmem>> -> memref<32x1024xf32, #tpu.memory_space<vmem>>
    %dma_wait3A_484 = arith.constant 0 : i32
    %dma_wait3A_485 = tpu.memref_slice %arg3[%add3A_277, %dma_wait3A_484] : memref<16384x1024xf32, #tpu.memory_space<hbm>> -> memref<32x1024xf32, #tpu.memory_space<hbm>>
    %dma_wait3A_486 = arith.constant 0 : i32
    %dma_wait3A_487 = tpu.memref_slice %arg3[%add3A_277, %dma_wait3A_486] : memref<16384x1024xf32, #tpu.memory_space<hbm>> -> memref<32x1024xf32, #tpu.memory_space<hbm>>
    %dma_wait3A_488 = arith.constant 0 : i32
    %dma_wait3A_489 = arith.constant 0 : i32
    %dma_wait3A_490 = tpu.memref_slice %arg4[%dma_wait3A_488, %dma_wait3A_489] : memref<64x1024xf32, #tpu.memory_space<vmem>> -> memref<32x1024xf32, #tpu.memory_space<vmem>>
    tpu.wait_dma2 semaphore(%arg7 : memref<!tpu.dma_semaphore, #tpu.memory_space<semaphore_mem>>) src(%dma_wait3A_490 : memref<32x1024xf32, #tpu.memory_space<vmem>>) dst(%dma_wait3A_487 : memref<32x1024xf32, #tpu.memory_space<hbm>>)
    %dma_wait3A_491 = arith.constant 0 : i32
    %dma_wait3A_492 = arith.constant 0 : i32
    %dma_wait3A_493 = arith.constant 0 : i32
    %dma_wait3A_494 = tpu.memref_slice %arg4[%dma_wait3A_492, %dma_wait3A_493] : memref<64x1024xf32, #tpu.memory_space<vmem>> -> memref<32x1024xf32, #tpu.memory_space<vmem>>
    %dma_wait3A_495 = arith.constant 0 : i32
    %dma_wait3A_496 = tpu.memref_slice %arg5[%dma_wait3A_491, %dma_wait3A_495] : memref<8x32xi32, #tpu.memory_space<vmem>> -> memref<1x32xi32, #tpu.memory_space<vmem>>
    %dma_wait3A_497 = tpu.memref_squeeze %dma_wait3A_496 : memref<1x32xi32, #tpu.memory_space<vmem>> -> memref<32xi32, #tpu.memory_space<vmem>>
    %dma_wait3A_498 = arith.constant 0 : i32
    %dma_wait3A_499 = arith.constant 0 : i32
    %dma_wait3A_500 = tpu.memref_slice %arg3[%dma_wait3A_498, %dma_wait3A_499] : memref<16384x1024xf32, #tpu.memory_space<hbm>> -> memref<16384x1024xf32, #tpu.memory_space<hbm>>
    tpu.wait_indirect_dma semaphore(%arg7 : memref<!tpu.dma_semaphore, #tpu.memory_space<semaphore_mem>>) src(%dma_wait3A_494 : memref<32x1024xf32, #tpu.memory_space<vmem>>) dst(%dma_wait3A_500 : memref<16384x1024xf32, #tpu.memory_space<hbm>>)
    %dma_wait3A_501 = arith.constant 0 : i32
    %dma_wait3A_502 = arith.constant 0 : i32
    %dma_wait3A_503 = tpu.memref_slice %arg4[%dma_wait3A_501, %dma_wait3A_502] : memref<64x1024xf32, #tpu.memory_space<vmem>> -> memref<32x1024xf32, #tpu.memory_space<vmem>>
    %dma_wait3A_504 = arith.constant 0 : i32
    %dma_wait3A_505 = tpu.memref_slice %arg3[%add3A_301, %dma_wait3A_504] : memref<16384x1024xf32, #tpu.memory_space<hbm>> -> memref<32x1024xf32, #tpu.memory_space<hbm>>
    %dma_wait3A_506 = arith.constant 0 : i32
    %dma_wait3A_507 = tpu.memref_slice %arg3[%add3A_301, %dma_wait3A_506] : memref<16384x1024xf32, #tpu.memory_space<hbm>> -> memref<32x1024xf32, #tpu.memory_space<hbm>>
    %dma_wait3A_508 = arith.constant 0 : i32
    %dma_wait3A_509 = arith.constant 0 : i32
    %dma_wait3A_510 = tpu.memref_slice %arg4[%dma_wait3A_508, %dma_wait3A_509] : memref<64x1024xf32, #tpu.memory_space<vmem>> -> memref<32x1024xf32, #tpu.memory_space<vmem>>
    tpu.wait_dma2 semaphore(%arg7 : memref<!tpu.dma_semaphore, #tpu.memory_space<semaphore_mem>>) src(%dma_wait3A_510 : memref<32x1024xf32, #tpu.memory_space<vmem>>) dst(%dma_wait3A_507 : memref<32x1024xf32, #tpu.memory_space<hbm>>)
    %dma_wait3A_511 = arith.constant 2 : i32
    %dma_wait3A_512 = arith.constant 0 : i32
    %dma_wait3A_513 = arith.constant 0 : i32
    %dma_wait3A_514 = tpu.memref_slice %arg4[%dma_wait3A_512, %dma_wait3A_513] : memref<64x1024xf32, #tpu.memory_space<vmem>> -> memref<32x1024xf32, #tpu.memory_space<vmem>>
    %dma_wait3A_515 = arith.constant 0 : i32
    %dma_wait3A_516 = tpu.memref_slice %arg5[%dma_wait3A_511, %dma_wait3A_515] : memref<8x32xi32, #tpu.memory_space<vmem>> -> memref<1x32xi32, #tpu.memory_space<vmem>>
    %dma_wait3A_517 = tpu.memref_squeeze %dma_wait3A_516 : memref<1x32xi32, #tpu.memory_space<vmem>> -> memref<32xi32, #tpu.memory_space<vmem>>
    %dma_wait3A_518 = arith.constant 0 : i32
    %dma_wait3A_519 = arith.constant 0 : i32
    %dma_wait3A_520 = tpu.memref_slice %arg3[%dma_wait3A_518, %dma_wait3A_519] : memref<16384x1024xf32, #tpu.memory_space<hbm>> -> memref<16384x1024xf32, #tpu.memory_space<hbm>>
    tpu.wait_indirect_dma semaphore(%arg7 : memref<!tpu.dma_semaphore, #tpu.memory_space<semaphore_mem>>) src(%dma_wait3A_514 : memref<32x1024xf32, #tpu.memory_space<vmem>>) dst(%dma_wait3A_520 : memref<16384x1024xf32, #tpu.memory_space<hbm>>)
    %dma_wait3A_521 = arith.constant 0 : i32
    %dma_wait3A_522 = arith.constant 0 : i32
    %dma_wait3A_523 = tpu.memref_slice %arg4[%dma_wait3A_521, %dma_wait3A_522] : memref<64x1024xf32, #tpu.memory_space<vmem>> -> memref<32x1024xf32, #tpu.memory_space<vmem>>
    %dma_wait3A_524 = arith.constant 0 : i32
    %dma_wait3A_525 = tpu.memref_slice %arg3[%add3A_325, %dma_wait3A_524] : memref<16384x1024xf32, #tpu.memory_space<hbm>> -> memref<32x1024xf32, #tpu.memory_space<hbm>>
    %dma_wait3A_526 = arith.constant 0 : i32
    %dma_wait3A_527 = tpu.memref_slice %arg3[%add3A_325, %dma_wait3A_526] : memref<16384x1024xf32, #tpu.memory_space<hbm>> -> memref<32x1024xf32, #tpu.memory_space<hbm>>
    %dma_wait3A_528 = arith.constant 0 : i32
    %dma_wait3A_529 = arith.constant 0 : i32
    %dma_wait3A_530 = tpu.memref_slice %arg4[%dma_wait3A_528, %dma_wait3A_529] : memref<64x1024xf32, #tpu.memory_space<vmem>> -> memref<32x1024xf32, #tpu.memory_space<vmem>>
    tpu.wait_dma2 semaphore(%arg7 : memref<!tpu.dma_semaphore, #tpu.memory_space<semaphore_mem>>) src(%dma_wait3A_530 : memref<32x1024xf32, #tpu.memory_space<vmem>>) dst(%dma_wait3A_527 : memref<32x1024xf32, #tpu.memory_space<hbm>>)
    %dma_wait3A_531 = arith.constant 4 : i32
    %dma_wait3A_532 = arith.constant 0 : i32
    %dma_wait3A_533 = arith.constant 0 : i32
    %dma_wait3A_534 = tpu.memref_slice %arg4[%dma_wait3A_532, %dma_wait3A_533] : memref<64x1024xf32, #tpu.memory_space<vmem>> -> memref<32x1024xf32, #tpu.memory_space<vmem>>
    %dma_wait3A_535 = arith.constant 0 : i32
    %dma_wait3A_536 = tpu.memref_slice %arg5[%dma_wait3A_531, %dma_wait3A_535] : memref<8x32xi32, #tpu.memory_space<vmem>> -> memref<1x32xi32, #tpu.memory_space<vmem>>
    %dma_wait3A_537 = tpu.memref_squeeze %dma_wait3A_536 : memref<1x32xi32, #tpu.memory_space<vmem>> -> memref<32xi32, #tpu.memory_space<vmem>>
    %dma_wait3A_538 = arith.constant 0 : i32
    %dma_wait3A_539 = arith.constant 0 : i32
    %dma_wait3A_540 = tpu.memref_slice %arg3[%dma_wait3A_538, %dma_wait3A_539] : memref<16384x1024xf32, #tpu.memory_space<hbm>> -> memref<16384x1024xf32, #tpu.memory_space<hbm>>
    tpu.wait_indirect_dma semaphore(%arg7 : memref<!tpu.dma_semaphore, #tpu.memory_space<semaphore_mem>>) src(%dma_wait3A_534 : memref<32x1024xf32, #tpu.memory_space<vmem>>) dst(%dma_wait3A_540 : memref<16384x1024xf32, #tpu.memory_space<hbm>>)
    %dma_wait3A_541 = arith.constant 0 : i32
    %dma_wait3A_542 = arith.constant 0 : i32
    %dma_wait3A_543 = tpu.memref_slice %arg4[%dma_wait3A_541, %dma_wait3A_542] : memref<64x1024xf32, #tpu.memory_space<vmem>> -> memref<32x1024xf32, #tpu.memory_space<vmem>>
    %dma_wait3A_544 = arith.constant 0 : i32
    %dma_wait3A_545 = tpu.memref_slice %arg3[%add3A_349, %dma_wait3A_544] : memref<16384x1024xf32, #tpu.memory_space<hbm>> -> memref<32x1024xf32, #tpu.memory_space<hbm>>
    %dma_wait3A_546 = arith.constant 0 : i32
    %dma_wait3A_547 = tpu.memref_slice %arg3[%add3A_349, %dma_wait3A_546] : memref<16384x1024xf32, #tpu.memory_space<hbm>> -> memref<32x1024xf32, #tpu.memory_space<hbm>>
    %dma_wait3A_548 = arith.constant 0 : i32
    %dma_wait3A_549 = arith.constant 0 : i32
    %dma_wait3A_550 = tpu.memref_slice %arg4[%dma_wait3A_548, %dma_wait3A_549] : memref<64x1024xf32, #tpu.memory_space<vmem>> -> memref<32x1024xf32, #tpu.memory_space<vmem>>
    tpu.wait_dma2 semaphore(%arg7 : memref<!tpu.dma_semaphore, #tpu.memory_space<semaphore_mem>>) src(%dma_wait3A_550 : memref<32x1024xf32, #tpu.memory_space<vmem>>) dst(%dma_wait3A_547 : memref<32x1024xf32, #tpu.memory_space<hbm>>)
    %dma_wait3A_551 = arith.constant 6 : i32
    %dma_wait3A_552 = arith.constant 0 : i32
    %dma_wait3A_553 = arith.constant 0 : i32
    %dma_wait3A_554 = tpu.memref_slice %arg4[%dma_wait3A_552, %dma_wait3A_553] : memref<64x1024xf32, #tpu.memory_space<vmem>> -> memref<32x1024xf32, #tpu.memory_space<vmem>>
    %dma_wait3A_555 = arith.constant 0 : i32
    %dma_wait3A_556 = tpu.memref_slice %arg5[%dma_wait3A_551, %dma_wait3A_555] : memref<8x32xi32, #tpu.memory_space<vmem>> -> memref<1x32xi32, #tpu.memory_space<vmem>>
    %dma_wait3A_557 = tpu.memref_squeeze %dma_wait3A_556 : memref<1x32xi32, #tpu.memory_space<vmem>> -> memref<32xi32, #tpu.memory_space<vmem>>
    %dma_wait3A_558 = arith.constant 0 : i32
    %dma_wait3A_559 = arith.constant 0 : i32
    %dma_wait3A_560 = tpu.memref_slice %arg3[%dma_wait3A_558, %dma_wait3A_559] : memref<16384x1024xf32, #tpu.memory_space<hbm>> -> memref<16384x1024xf32, #tpu.memory_space<hbm>>
    tpu.wait_indirect_dma semaphore(%arg7 : memref<!tpu.dma_semaphore, #tpu.memory_space<semaphore_mem>>) src(%dma_wait3A_554 : memref<32x1024xf32, #tpu.memory_space<vmem>>) dst(%dma_wait3A_560 : memref<16384x1024xf32, #tpu.memory_space<hbm>>)
    %dma_wait3A_561 = arith.constant 32 : i32
    %dma_wait3A_562 = arith.constant 0 : i32
    %dma_wait3A_563 = tpu.memref_slice %arg4[%dma_wait3A_561, %dma_wait3A_562] : memref<64x1024xf32, #tpu.memory_space<vmem>> -> memref<32x1024xf32, #tpu.memory_space<vmem>>
    %dma_wait3A_564 = arith.constant 0 : i32
    %dma_wait3A_565 = tpu.memref_slice %arg3[%add3A_385, %dma_wait3A_564] : memref<16384x1024xf32, #tpu.memory_space<hbm>> -> memref<32x1024xf32, #tpu.memory_space<hbm>>
    %dma_wait3A_566 = arith.constant 0 : i32
    %dma_wait3A_567 = tpu.memref_slice %arg3[%add3A_385, %dma_wait3A_566] : memref<16384x1024xf32, #tpu.memory_space<hbm>> -> memref<32x1024xf32, #tpu.memory_space<hbm>>
    %dma_wait3A_568 = arith.constant 32 : i32
    %dma_wait3A_569 = arith.constant 0 : i32
    %dma_wait3A_570 = tpu.memref_slice %arg4[%dma_wait3A_568, %dma_wait3A_569] : memref<64x1024xf32, #tpu.memory_space<vmem>> -> memref<32x1024xf32, #tpu.memory_space<vmem>>
    tpu.wait_dma2 semaphore(%arg7 : memref<!tpu.dma_semaphore, #tpu.memory_space<semaphore_mem>>) src(%dma_wait3A_570 : memref<32x1024xf32, #tpu.memory_space<vmem>>) dst(%dma_wait3A_567 : memref<32x1024xf32, #tpu.memory_space<hbm>>)
    %dma_wait3A_571 = arith.constant 1 : i32
    %dma_wait3A_572 = arith.constant 32 : i32
    %dma_wait3A_573 = arith.constant 0 : i32
    %dma_wait3A_574 = tpu.memref_slice %arg4[%dma_wait3A_572, %dma_wait3A_573] : memref<64x1024xf32, #tpu.memory_space<vmem>> -> memref<32x1024xf32, #tpu.memory_space<vmem>>
    %dma_wait3A_575 = arith.constant 0 : i32
    %dma_wait3A_576 = tpu.memref_slice %arg5[%dma_wait3A_571, %dma_wait3A_575] : memref<8x32xi32, #tpu.memory_space<vmem>> -> memref<1x32xi32, #tpu.memory_space<vmem>>
    %dma_wait3A_577 = tpu.memref_squeeze %dma_wait3A_576 : memref<1x32xi32, #tpu.memory_space<vmem>> -> memref<32xi32, #tpu.memory_space<vmem>>
    %dma_wait3A_578 = arith.constant 0 : i32
    %dma_wait3A_579 = arith.constant 0 : i32
    %dma_wait3A_580 = tpu.memref_slice %arg3[%dma_wait3A_578, %dma_wait3A_579] : memref<16384x1024xf32, #tpu.memory_space<hbm>> -> memref<16384x1024xf32, #tpu.memory_space<hbm>>
    tpu.wait_indirect_dma semaphore(%arg7 : memref<!tpu.dma_semaphore, #tpu.memory_space<semaphore_mem>>) src(%dma_wait3A_574 : memref<32x1024xf32, #tpu.memory_space<vmem>>) dst(%dma_wait3A_580 : memref<16384x1024xf32, #tpu.memory_space<hbm>>)
    %dma_wait3A_581 = arith.constant 32 : i32
    %dma_wait3A_582 = arith.constant 0 : i32
    %dma_wait3A_583 = tpu.memref_slice %arg4[%dma_wait3A_581, %dma_wait3A_582] : memref<64x1024xf32, #tpu.memory_space<vmem>> -> memref<32x1024xf32, #tpu.memory_space<vmem>>
    %dma_wait3A_584 = arith.constant 0 : i32
    %dma_wait3A_585 = tpu.memref_slice %arg3[%add3A_409, %dma_wait3A_584] : memref<16384x1024xf32, #tpu.memory_space<hbm>> -> memref<32x1024xf32, #tpu.memory_space<hbm>>
    %dma_wait3A_586 = arith.constant 0 : i32
    %dma_wait3A_587 = tpu.memref_slice %arg3[%add3A_409, %dma_wait3A_586] : memref<16384x1024xf32, #tpu.memory_space<hbm>> -> memref<32x1024xf32, #tpu.memory_space<hbm>>
    %dma_wait3A_588 = arith.constant 32 : i32
    %dma_wait3A_589 = arith.constant 0 : i32
    %dma_wait3A_590 = tpu.memref_slice %arg4[%dma_wait3A_588, %dma_wait3A_589] : memref<64x1024xf32, #tpu.memory_space<vmem>> -> memref<32x1024xf32, #tpu.memory_space<vmem>>
    tpu.wait_dma2 semaphore(%arg7 : memref<!tpu.dma_semaphore, #tpu.memory_space<semaphore_mem>>) src(%dma_wait3A_590 : memref<32x1024xf32, #tpu.memory_space<vmem>>) dst(%dma_wait3A_587 : memref<32x1024xf32, #tpu.memory_space<hbm>>)
    %dma_wait3A_591 = arith.constant 3 : i32
    %dma_wait3A_592 = arith.constant 32 : i32
    %dma_wait3A_593 = arith.constant 0 : i32
    %dma_wait3A_594 = tpu.memref_slice %arg4[%dma_wait3A_592, %dma_wait3A_593] : memref<64x1024xf32, #tpu.memory_space<vmem>> -> memref<32x1024xf32, #tpu.memory_space<vmem>>
    %dma_wait3A_595 = arith.constant 0 : i32
    %dma_wait3A_596 = tpu.memref_slice %arg5[%dma_wait3A_591, %dma_wait3A_595] : memref<8x32xi32, #tpu.memory_space<vmem>> -> memref<1x32xi32, #tpu.memory_space<vmem>>
    %dma_wait3A_597 = tpu.memref_squeeze %dma_wait3A_596 : memref<1x32xi32, #tpu.memory_space<vmem>> -> memref<32xi32, #tpu.memory_space<vmem>>
    %dma_wait3A_598 = arith.constant 0 : i32
    %dma_wait3A_599 = arith.constant 0 : i32
    %dma_wait3A_600 = tpu.memref_slice %arg3[%dma_wait3A_598, %dma_wait3A_599] : memref<16384x1024xf32, #tpu.memory_space<hbm>> -> memref<16384x1024xf32, #tpu.memory_space<hbm>>
    tpu.wait_indirect_dma semaphore(%arg7 : memref<!tpu.dma_semaphore, #tpu.memory_space<semaphore_mem>>) src(%dma_wait3A_594 : memref<32x1024xf32, #tpu.memory_space<vmem>>) dst(%dma_wait3A_600 : memref<16384x1024xf32, #tpu.memory_space<hbm>>)
    %dma_wait3A_601 = arith.constant 32 : i32
    %dma_wait3A_602 = arith.constant 0 : i32
    %dma_wait3A_603 = tpu.memref_slice %arg4[%dma_wait3A_601, %dma_wait3A_602] : memref<64x1024xf32, #tpu.memory_space<vmem>> -> memref<32x1024xf32, #tpu.memory_space<vmem>>
    %dma_wait3A_604 = arith.constant 0 : i32
    %dma_wait3A_605 = tpu.memref_slice %arg3[%add3A_433, %dma_wait3A_604] : memref<16384x1024xf32, #tpu.memory_space<hbm>> -> memref<32x1024xf32, #tpu.memory_space<hbm>>
    %dma_wait3A_606 = arith.constant 0 : i32
    %dma_wait3A_607 = tpu.memref_slice %arg3[%add3A_433, %dma_wait3A_606] : memref<16384x1024xf32, #tpu.memory_space<hbm>> -> memref<32x1024xf32, #tpu.memory_space<hbm>>
    %dma_wait3A_608 = arith.constant 32 : i32
    %dma_wait3A_609 = arith.constant 0 : i32
    %dma_wait3A_610 = tpu.memref_slice %arg4[%dma_wait3A_608, %dma_wait3A_609] : memref<64x1024xf32, #tpu.memory_space<vmem>> -> memref<32x1024xf32, #tpu.memory_space<vmem>>
    tpu.wait_dma2 semaphore(%arg7 : memref<!tpu.dma_semaphore, #tpu.memory_space<semaphore_mem>>) src(%dma_wait3A_610 : memref<32x1024xf32, #tpu.memory_space<vmem>>) dst(%dma_wait3A_607 : memref<32x1024xf32, #tpu.memory_space<hbm>>)
    %dma_wait3A_611 = arith.constant 5 : i32
    %dma_wait3A_612 = arith.constant 32 : i32
    %dma_wait3A_613 = arith.constant 0 : i32
    %dma_wait3A_614 = tpu.memref_slice %arg4[%dma_wait3A_612, %dma_wait3A_613] : memref<64x1024xf32, #tpu.memory_space<vmem>> -> memref<32x1024xf32, #tpu.memory_space<vmem>>
    %dma_wait3A_615 = arith.constant 0 : i32
    %dma_wait3A_616 = tpu.memref_slice %arg5[%dma_wait3A_611, %dma_wait3A_615] : memref<8x32xi32, #tpu.memory_space<vmem>> -> memref<1x32xi32, #tpu.memory_space<vmem>>
    %dma_wait3A_617 = tpu.memref_squeeze %dma_wait3A_616 : memref<1x32xi32, #tpu.memory_space<vmem>> -> memref<32xi32, #tpu.memory_space<vmem>>
    %dma_wait3A_618 = arith.constant 0 : i32
    %dma_wait3A_619 = arith.constant 0 : i32
    %dma_wait3A_620 = tpu.memref_slice %arg3[%dma_wait3A_618, %dma_wait3A_619] : memref<16384x1024xf32, #tpu.memory_space<hbm>> -> memref<16384x1024xf32, #tpu.memory_space<hbm>>
    tpu.wait_indirect_dma semaphore(%arg7 : memref<!tpu.dma_semaphore, #tpu.memory_space<semaphore_mem>>) src(%dma_wait3A_614 : memref<32x1024xf32, #tpu.memory_space<vmem>>) dst(%dma_wait3A_620 : memref<16384x1024xf32, #tpu.memory_space<hbm>>)
    %dma_wait3A_621 = arith.constant 32 : i32
    %dma_wait3A_622 = arith.constant 0 : i32
    %dma_wait3A_623 = tpu.memref_slice %arg4[%dma_wait3A_621, %dma_wait3A_622] : memref<64x1024xf32, #tpu.memory_space<vmem>> -> memref<32x1024xf32, #tpu.memory_space<vmem>>
    %dma_wait3A_624 = arith.constant 0 : i32
    %dma_wait3A_625 = tpu.memref_slice %arg3[%add3A_457, %dma_wait3A_624] : memref<16384x1024xf32, #tpu.memory_space<hbm>> -> memref<32x1024xf32, #tpu.memory_space<hbm>>
    %dma_wait3A_626 = arith.constant 0 : i32
    %dma_wait3A_627 = tpu.memref_slice %arg3[%add3A_457, %dma_wait3A_626] : memref<16384x1024xf32, #tpu.memory_space<hbm>> -> memref<32x1024xf32, #tpu.memory_space<hbm>>
    %dma_wait3A_628 = arith.constant 32 : i32
    %dma_wait3A_629 = arith.constant 0 : i32
    %dma_wait3A_630 = tpu.memref_slice %arg4[%dma_wait3A_628, %dma_wait3A_629] : memref<64x1024xf32, #tpu.memory_space<vmem>> -> memref<32x1024xf32, #tpu.memory_space<vmem>>
    tpu.wait_dma2 semaphore(%arg7 : memref<!tpu.dma_semaphore, #tpu.memory_space<semaphore_mem>>) src(%dma_wait3A_630 : memref<32x1024xf32, #tpu.memory_space<vmem>>) dst(%dma_wait3A_627 : memref<32x1024xf32, #tpu.memory_space<hbm>>)
    %dma_wait3A_631 = arith.constant 7 : i32
    %dma_wait3A_632 = arith.constant 32 : i32
    %dma_wait3A_633 = arith.constant 0 : i32
    %dma_wait3A_634 = tpu.memref_slice %arg4[%dma_wait3A_632, %dma_wait3A_633] : memref<64x1024xf32, #tpu.memory_space<vmem>> -> memref<32x1024xf32, #tpu.memory_space<vmem>>
    %dma_wait3A_635 = arith.constant 0 : i32
    %dma_wait3A_636 = tpu.memref_slice %arg5[%dma_wait3A_631, %dma_wait3A_635] : memref<8x32xi32, #tpu.memory_space<vmem>> -> memref<1x32xi32, #tpu.memory_space<vmem>>
    %dma_wait3A_637 = tpu.memref_squeeze %dma_wait3A_636 : memref<1x32xi32, #tpu.memory_space<vmem>> -> memref<32xi32, #tpu.memory_space<vmem>>
    %dma_wait3A_638 = arith.constant 0 : i32
    %dma_wait3A_639 = arith.constant 0 : i32
    %dma_wait3A_640 = tpu.memref_slice %arg3[%dma_wait3A_638, %dma_wait3A_639] : memref<16384x1024xf32, #tpu.memory_space<hbm>> -> memref<16384x1024xf32, #tpu.memory_space<hbm>>
    tpu.wait_indirect_dma semaphore(%arg7 : memref<!tpu.dma_semaphore, #tpu.memory_space<semaphore_mem>>) src(%dma_wait3A_634 : memref<32x1024xf32, #tpu.memory_space<vmem>>) dst(%dma_wait3A_640 : memref<16384x1024xf32, #tpu.memory_space<hbm>>)
    return
  }
}

</mosaic_0001>

<sc_bundles>
// kernel: kernel.3.cloned.1.call-start
scs
__scs_entry_jumppad:
0x0: {  	(pc) =	sbr.rel $0x88, $3  }
0x1: {  	(tag) =	ssettag $0x0;
	lr =	simm.s32 $0x1  }
0x2: {  	[smem:$0x3FA0] =	sst lr;
	_ =	strace $0xD0000000  }
0x3: {  	_ = 	snop  }
0x4: {  	_ = 	snop  }
0x5: {  	_ = 	snop  }
0x6: {  	_ = 	snop  }
0x7: {  	_ = 	snop  }
__scs_overlays_trampoline_lowered:
0x8: {  	[smem:$0x3FAF] =	sst s0  }
0x9: {  	[smem:$0x3FB0] =	sst s1  }
0xa: {  	[smem:$0x3FB1] =	sst s2  }
0xb: {  	[smem:$0x3FB2] =	sst s3  }
0xc: {  	[smem:$0x3FB3] =	sst s4  }
0xd: {  	[smem:$0x3FB4] =	sst s5  }
0xe: {  	[smem:$0x3FB5] =	sst s6  }
0xf: {  	[smem:$0x3FB6] =	sst s7  }
0x10: {  	[smem:$0x3FB7] =	sst s8  }
0x11: {  	[smem:$0x3FB8] =	sst s9;
	s0 =	simm.s32 @!p0 $0x0  }
0x12: {  	s1 =	sld [smem:$0x3F9E];
	s0 =	simm.s32 @p0 $0x1  }
0x13: {  	[smem:$0x3FB9] =	sst s0;
	s0 =	simm.s32 @!p1 $0x0  }
0x14: {  	s2 =	sld [smem:$0x3F9D];
	s0 =	simm.s32 @p1 $0x1  }
0x15: {  	[smem:$0x3FBA] =	sst s0;
	s0 =	simm.s32 @!p2 $0x0  }
0x16: {  	s3 =	sld [smem:$0x3FDB];
	s0 =	simm.s32 @p2 $0x1  }
0x17: {  	s4 =	simm.s32 $0x1BF5;
	[smem:$0x3FBC] =	sst s0  }
0x18: {  	s0 =	sld [smem:$0x3F9F];
	_ =	swait.ge [sflag:s4], $0x0  }
0x19: {  	s7 =	sld [smem:$0x3FA0]  }
0x1a: {  	s8 =	sadd.s32 $0xFFFFE003, lr  }
0x1b: {  	s9 =	sadd.s32 $0xFFFFFEF7, lr;
	s5 =	simm.s32 $0xFFFFFFFF;
	p2 =	slt.u32 s8, $0xFFFFF086  }
0x1c: {  	p1 =	slt.u32 s9, $0xF7A;
	s5 =	simm.s32 @!p2 $0x0  }
0x1d: {  	s5 =	simm.s32 @p1 $0x1;
	p0 =	seq.s32 s7, s2  }
0x1e: {  	s7 =	smul.u32 @!p0 $0xF7A, s2;
	p2 =	seq.s32 @!p0 s5, $0x0  }
0x1f: {  	s9 =	smul.u32 $0xF7A, s1;
	s8 =	simm.s32 @!p0 $0x1BF5;
	p2 =	por !p2, p0  }
0x20: {  	[sflag:s8] =	ssyncset.s32 @!p0 $0xFFFFF086;
	s6 =	sadd.s32 @!p0 s3, s7;
	s7 =	simm.s32 @!p0 $0x108  }
0x21: {  	s3 =	sadd.s32 s3, s9;
	s6 =	sadd.s32 @!p0 $0x88, s6;
	s7 =	simm.s32 @p2 $0x1082  }
0x22: {  	[simem:s7], [sflag:s8] =	dma.local @!p0 [hbm:s6], $0xF7A  }
0x23: {  	s9 =	sor.u32 $0xD0000000, s2;
	s6 =	simm.s32 $0x108;
	_ =	swait.ge @!p0 [sflag:s8], $0x0  }
0x24: {  	s3 =	sadd.s32 $0x88, s3;
	s6 =	simm.s32 @!p1 $0x1082;
	[sflag:s4] =	ssyncset.s32 $0xFFFFF086  }
0x25: {  	[simem:s6], [sflag:s4] =	dma.local [hbm:s3], $0xF7A  }
0x26: {  	[smem:$0x3FA0] =	sst s1;
	(tag) =	ssettag s2;
	_ =	strace s9  }
0x27: {  	s1 =	sld [smem:$0x3FB0]  }
0x28: {  	s2 =	sld [smem:$0x3FB1]  }
0x29: {  	s4 =	sld [smem:$0x3FB3]  }
0x2a: {  	p0 =	seq.s32 s5, $0x0;
	s5 =	sld [smem:$0x3FB4]  }
0x2b: {  	s6 =	sld [smem:$0x3FB5]  }
0x2c: {  	s7 =	sld [smem:$0x3FB6]  }
0x2d: {  	s3 =	simm.s32 $0x108;
	s8 =	sld [smem:$0x3FB7]  }
0x2e: {  	s3 =	simm.s32 @!p0 $0x1082;
	s9 =	sld [smem:$0x3FB8]  }
0x2f: {  	lr =	sadd.s32 s0, s3;
	s0 =	sld [smem:$0x3FAF]  }
0x30: {  	s3 =	sld [smem:$0x3FB2]  }
0x31: {  	[smem:$0x3FBB] =	sst s10  }
0x32: {  	s10 =	sld [smem:$0x3FB9];
	_ =	sdelay $0x3  }
0x33: {  	p0 =	seq.s32 s10, $0x1;
	s10 =	sld [smem:$0x3FBB];
	_ =	sdelay $0x3  }
0x34: {  	[smem:$0x3FBB] =	sst s10  }
0x35: {  	s10 =	sld [smem:$0x3FBA];
	_ =	sdelay $0x3  }
0x36: {  	p1 =	seq.s32 s10, $0x1;
	s10 =	sld [smem:$0x3FBB];
	_ =	sdelay $0x3  }
0x37: {  	[smem:$0x3FBB] =	sst s10  }
0x38: {  	s10 =	sld [smem:$0x3FBC]  }
0x39: {  	_ = 	snop;
	(pc) =	sbr.ind lr, $3  }
0x3a: {  	_ = 	snop  }
0x3b: {  	_ = 	snop  }
0x3c: {  	p2 =	seq.s32 s10, $0x1;
	s10 =	sld [smem:$0x3FBB]  }
0x3d: {  	_ =	shalt  }
0x3e: {  	_ =	shalt  }
0x3f: {  	_ =	shalt  }
0x40: {  	_ =	shalt  }
0x41: {  	_ =	shalt  }
0x42: {  	_ =	shalt  }
0x43: {  	_ =	shalt  }
0x44: {  	_ =	shalt  }
0x45: {  	_ =	shalt  }
0x46: {  	_ =	shalt  }
0x47: {  	_ =	shalt  }
0x48: {  	_ =	shalt  }
0x49: {  	_ =	shalt  }
0x4a: {  	_ =	shalt  }
0x4b: {  	_ =	shalt  }
0x4c: {  	_ =	shalt  }
0x4d: {  	_ =	shalt  }
0x4e: {  	_ =	shalt  }
0x4f: {  	_ =	shalt  }
0x50: {  	_ =	shalt  }
0x51: {  	_ =	shalt  }
0x52: {  	_ =	shalt  }
0x53: {  	_ =	shalt  }
0x54: {  	_ =	shalt  }
0x55: {  	_ =	shalt  }
0x56: {  	_ =	shalt  }
0x57: {  	_ =	shalt  }
0x58: {  	_ =	shalt  }
0x59: {  	_ =	shalt  }
0x5a: {  	_ =	shalt  }
0x5b: {  	_ =	shalt  }
0x5c: {  	_ =	shalt  }
0x5d: {  	_ =	shalt  }
0x5e: {  	_ =	shalt  }
0x5f: {  	_ =	shalt  }
0x60: {  	_ =	shalt  }
0x61: {  	_ =	shalt  }
0x62: {  	_ =	shalt  }
0x63: {  	_ =	shalt  }
0x64: {  	_ =	shalt  }
0x65: {  	_ =	shalt  }
0x66: {  	_ =	shalt  }
0x67: {  	_ =	shalt  }
0x68: {  	_ =	shalt  }
0x69: {  	_ =	shalt  }
0x6a: {  	_ =	shalt  }
0x6b: {  	_ =	shalt  }
0x6c: {  	_ =	shalt  }
0x6d: {  	_ =	shalt  }
0x6e: {  	_ =	shalt  }
0x6f: {  	_ =	shalt  }
0x70: {  	_ =	shalt  }
0x71: {  	_ =	shalt  }
0x72: {  	_ =	shalt  }
0x73: {  	_ =	shalt  }
0x74: {  	_ =	shalt  }
0x75: {  	_ =	shalt  }
0x76: {  	_ =	shalt  }
0x77: {  	_ =	shalt  }
0x78: {  	_ =	shalt  }
0x79: {  	_ =	shalt  }
0x7a: {  	_ =	shalt  }
0x7b: {  	_ =	shalt  }
0x7c: {  	_ =	shalt  }
0x7d: {  	_ =	shalt  }
0x7e: {  	_ =	shalt  }
0x7f: {  	_ =	shalt  }
0x80: {  	_ =	shalt  }
0x81: {  	_ =	shalt  }
0x82: {  	_ =	shalt  }
0x83: {  	_ =	shalt  }
0x84: {  	_ =	shalt  }
0x85: {  	_ =	shalt  }
0x86: {  	_ =	shalt  }
0x87: {  	_ =	shalt  }
.Lfunc_end0:
.L_simem_size_0:
called_computation_lowered:
.L_overlay_start_0:
0x88: {  	s2 =	sld [smem:$0x3FD9]  }
0x89: {  	s3 =	sld [smem:$0x3FFE];
	_ =	sdelay $0x1  }
0x8a: {  	s1 =	srdreg.scid  }
0x8b: {  	s0 =	sand.u32 $0x1, s1  }
0x8c: {  	s18 =	sshll.u32 s0, $0xA;
	s2 =	sadd.s32 s3, s2  }
0x8d: {  	s2 =	sadd.s32 s2, s18  }
0x8e: {  	[smem:$0x3FC7] =	sst s2  }
0x8f: {  	_ = 	snop  }
0x90: {  	s2 =	sld [smem:$0x3FC9]  }
0x91: {  	s19 =	sld [smem:$0x3FD0];
	(tm) =	ssettm $0x1  }
0x92: {  	s4 =	sld [smem:$0x3FFB];
	_ =	sdelay $0x3  }
0x93: {  	_ =	strace s4  }
0x94: {  	s4 =	sld [smem:$0x3FFC];
	_ =	sdelay $0x3  }
0x95: {  	_ =	strace s4  }
0x96: {  	s4 =	sld [smem:$0x3FFD];
	_ =	sdelay $0x3  }
0x97: {  	_ =	strace s4  }
0x98: {  	_ =	strace $0x8FFFFFFF  }
0x99: {  	s20 =	sld [smem:$0x3FDB];
	_ =	sdelay $0x1  }
0x9a: {  	s5 =	simm.s32 $_scs_section_size  }
0x9b: {  	s6 =	simm.s32 $_size__tile_overlayer_lowered;
	s7 =	simm.s32 $_tile_overlayer_lowered  }
0x9c: {  	s23 =	simm.s32 $0x1BFF;
	s22 =	sshll.u32 s7, $0x1;
	s4 =	sadd.s32 s5, s20  }
0x9d: {  	s8 =	simm.s32 $0x0;
	s21 =	sshll.u32 s6, $0x1;
	s6 =	sadd.s32 s22, s4  }
0x9e: {  	[timem:s8], [sflag:s23] =	dma.local [hbm:s6], s21  }
0x9f: {  	_ =	swait.ge [sflag:s23], s21  }
0xa0: {  	s5 =	ssub.s32 $0x0, s21;
	[sflag:s23] =	ssyncset.done $0x0  }
0xa1: {  	[sflag:s23] =	ssyncadd.s32 s5;
	_ =	sdelay $0x1  }
0xa2: {  	s24 =	simm.s32 $0x1B8B  }
0xa3: {  	_ =	swait.ge [sflag:s24], $0x1  }
0xa4: {  	[sflag:s24] =	ssyncset.done $0x0  }
0xa5: {  	s25 =	simm.s32 $0x1B8E;
	[sflag:s24] =	ssyncadd.s32 $0xFFFFFFFF  }
0xa6: {  	s26 =	simm.s32 $execute0_lowered;
	[smem:$0x3FD2] =	sst s25  }
0xa7: {  	s5 =	sshll.u32 s26, $0x1;
	_ =	strace $0x80000046;
	[dreg:$0x1] =	wrdreg $0xFFFFFFFF  }
0xa8: {  	s28 =	simm.s32 $_size_execute0_lowered;
	s4 =	sadd.s32 s4, s5;
	[dreg:$0x0] =	wrdreg $0x0  }
0xa9: {  	s5 =	sshll.u32 s28, $0x1;
	[dreg:$0x2] =	wrdreg s4  }
0xaa: {  	[dreg:$0x3] =	wrdreg s5  }
0xab: {  	[dreg:$0x4] =	wrdreg $0xC0  }
0xac: {  	_ =	task [dreg:s8], $0x5FFFF  }
0xad: {  	[dreg:$0x1] =	wrdreg $0xFFFFFFFF  }
0xae: {  	[dreg:$0x0] =	wrdreg $0x60  }
0xaf: {  	[dreg:$0x2] =	wrdreg s2  }
0xb0: {  	[dreg:$0x3] =	wrdreg s19  }
0xb1: {  	[dreg:$0x4] =	wrdreg $0x9  }
0xb2: {  	_ =	task.clear_ibuf [dreg:s8], $0x5FFFF;
	_ =	strace $0x90000046  }
0xb3: {  	s29 =	simm.s32 $0x9;
	_ =	strace $0x80000048  }
0xb4: {  	_ =	swait.ge [sflag:s29], $0x1  }
0xb5: {  	[sflag:s29] =	ssyncadd.s32 $0xFFFFFFFF  }
0xb6: {  	_ =	strace $0x90000048  }
0xb7: {  	_ =	sfence  }
0xb8: {  	s30 =	sld [smem:$0x0];
	_ =	sdelay $0x2  }
0xb9: {  	s31 =	sshll.u32 s1, $0xD;
	s1 =	sshrl.u32 s1, $0x2  }
0xba: {  	s3 =	sand.u32 $0x4000, s31;
	s1 =	sadd.s32 s1, s30  }
0xbb: {  	s0 =	sor.u32 s3, s0;
	s1 =	sshll.u32 s1, $0x11  }
0xbc: {  	s0 =	sor.u32 s1, s0  }
0xbd: {  	s0 =	sadd.s32 $0x8F2B, s0  }
0xbe: {  	[sflag:s0] =	ssyncadd.remote.s32 $0x1  }
0xbf: {  	_ =	sfence.sel $0xFFFF  }
0xc0: {  	[dreg:$0x0] =	wrdreg $0xFFFFFFFF;
	(pc) =	sbr.abs _section_cstart, $3  }
0xc1: {  	[dreg:$0x1] =	wrdreg $0xFFFFFFFF  }
0xc2: {  	_ =	task.clear_ibuf [dreg:s8], $0x2FFFF;
	_ =	strace $0x9FFFFFFF  }
0xc3: {  	(tm) =	ssettm $0x7FFFFFFF  }
tec
execute0_lowered:
.L_overlay_start_1:
0x0: {  	(tag) =	ssettag $0x1  }
0x1: {  	s0 =	rddreg [dreg:$0x0];
	s1 =	srdreg.scid  }
0x2: {  	s3 =	stileid.u32;
	s2 =	rddreg [dreg:$0x1];
	s29 =	simm.s32 $0x3000  }
0x3: {  	s30 =	simm.s32 $0x3800;
	s1 =	sand.u32 $0x1, s1;
	s3 =	sshll.u32 s3, $0x1  }
0x4: {  	s31 =	simm.s32 $0x4000;
	s15 =	sadd.s32 $0x80000, s2;
	s4 =	sor.u32 s1, s3  }
0x5: {  	s3 =	simm.s32 $0x0;
	s1 =	ssub.s32 $0x2, s1;
	s5 =	sshll.u32 s4, $0xD  }
0x6: {  	[smem:$0x7FF] =	sst s3;
	s6 =	sshrl.u32 s1, $0x1;
	p0 =	sne.s32 s4, $0x1F  }
0x7: {  	s7 =	sadd.s32 s0, s5;
	_ =	strace $0x80000047;
	s1 =	ssub.s32 s1, s6  }
0x8: {  	s0 =	sadd.s32 $0x40000, s0;
	s5 =	sadd.s32 s5, s2;
	[dreg:$0xd] =	wrdreg s15  }
0x9: {  	s6 =	sadd.s32 $0x200, s2;
	[dreg:$0x10] =	wrdreg s7;
	s21 =	sadd.s32 $0x1000, s7  }
0xa: {  	s7 =	sshll.u32 s4, $0x6;
	[dreg:$0x4] =	wrdreg s0;
	s22 =	sadd.s32 $0x40000, s5  }
0xb: {  	s23 =	sadd.s32 $0xC0000, s5;
	s8 =	sadd.s32 $0x140000, s5;
	s9 =	sadd.s32 $0x1C0000, s5  }
0xc: {  	s10 =	sadd.s32 $0x41000, s5;
	s13 =	sadd.s32 $0xC1000, s5;
	[dreg:$0x3] =	wrdreg s21  }
0xd: {  	s14 =	sadd.s32 $0x141000, s5;
	s5 =	sadd.s32 $0x1C1000, s5;
	[dreg:$0x5] =	wrdreg s22  }
0xe: {  	s0 =	ssub.s32 $0x800, s7;
	s11 =	sxor.u32 $0x7F0, s7;
	[dreg:$0x6] =	wrdreg s23  }
0xf: {  	s12 =	sxor.u32 $0x7E0, s7;
	s24 =	sxor.u32 $0x7D0, s7;
	[dreg:$0x7] =	wrdreg s8  }
0x10: {  	v18 =	vlaneseq.u32;
	s25 =	ssub.s32 $0x1800, s7;
	s26 =	sxor.u32 $0x17F0, s7;
	[dreg:$0x8] =	wrdreg s9  }
0x11: {  	v15 =	vmul.u32 $0xFFFFFFFF, v18;
	s28 =	sxor.u32 $0x17E0, s7;
	s17 =	sxor.u32 $0x17D0, s7;
	[dreg:$0x9] =	wrdreg s10  }
0x12: {  	s18 =	ssub.s32 $0x2800, s7;
	s19 =	sxor.u32 $0x27F0, s7;
	[dreg:$0xa] =	wrdreg s13  }
0x13: {  	vm0 =	vmmov $0xffff;
	v17 =	vshrl.u32 v18, $0x3;
	s20 =	sxor.u32 $0x27E0, s7;
	s21 =	sxor.u32 $0x27D0, s7;
	[dreg:$0xb] =	wrdreg s14;
	v0 =	vadd.s32 s0, v15  }
0x14: {  	s16 =	ssub.s32 $0x3800, s7;
	s13 =	sxor.u32 $0x37F0, s7;
	[dreg:$0xc] =	wrdreg s5;
	v1 =	vadd.s32 s11, v15;
	v2 =	vadd.s32 s12, v15;
	v3 =	vadd.s32 s24, v15  }
0x15: {  	s14 =	sxor.u32 $0x37E0, s7;
	s22 =	sadd.s32 $0x100000, s2;
	s15 =	sxor.u32 $0x37D0, s7;
	v4 =	vadd.s32 s25, v15;
	v5 =	vadd.s32 s26, v15;
	v6 =	vadd.s32 s28, v15  }
0x16: {  	s23 =	sadd.s32 $0x180000, s2;
	s5 =	sadd.s32 $0x100, s2;
	s7 =	sadd.s32 $0x300, s2;
	v7 =	vadd.s32 s17, v15;
	v8 =	vadd.s32 s18, v15;
	v9 =	vadd.s32 s19, v15  }
0x17: {  	s8 =	smax.u32 s1, $0x1;
	s9 =	simm.s32 $0x8000;
	[dreg:$0xe] =	wrdreg s22;
	v10 =	vadd.s32 s20, v15;
	v11 =	vadd.s32 s21, v15;
	v12 =	vadd.s32 s16, v15  }
0x18: {  	s10 =	simm.s32 $0x2;
	[dreg:$0xf] =	wrdreg s23;
	v13 =	vadd.s32 s13, v15;
	v14 =	vadd.s32 s14, v15;
	v15 =	vadd.s32 s15, v15;
	s15 =	simm.s32 $0xE800  }
0x19: {  	v16 =	vand.u32 $0x7, v18;
	v18 =	vor.u32 $0x8, v18;
	v17 =	vmul.u32 $0x8, v17;
	s16 =	simm.s32 $0xF000;
	s17 =	simm.s32 $0xF800;
	s18 =	simm.s32 $0x1  }
.LBB2_1:
0x1a: {  	s19 =	rddreg [dreg:$0x3]  }
0x1b: {  	s20 =	rddreg [dreg:$0x10]  }
0x1c: {  	[tilespmem:s3], [sflag:$0x2] =	stream.linear.gather [hbm4b:s20+s3], $0x8000, $0x38;
	[tilespmem:$0x10800] =	vst v63  }
0x1d: {  	s22 =	rddreg [dreg:$0x4]  }
0x1e: {  	[tilespmem:s9], [sflag:$0x2] =	stream.linear.gather [hbm4b:s19+s3], $0x8000, $0x38;
	[tilespmem:$0x10800] =	vst v63  }
0x1f: {  	s21 =	simm.s32 @!p0 $0x10400;
	s20 =	simm.s32 @!p0 $0x400;
	s19 =	simm.s32 @!p0 $0x80  }
0x20: {  	[tilespmem:s21], [sflag:$0x2] =	stream.strided.gather @!p0 [hbm4b:s22+s19], $0x400, s20, s19, $0x38;
	[tilespmem:$0x10800] =	vst v63  }
0x21: {  	[tilespmem:$0x10000] =	vst v0  }
0x22: {  	[tilespmem:$0x10010] =	vst v1  }
0x23: {  	[tilespmem:$0x10080] =	vst v2  }
0x24: {  	[tilespmem:$0x10090] =	vst v3  }
0x25: {  	[tilespmem:$0x10100] =	vst v4  }
0x26: {  	[tilespmem:$0x10110] =	vst v5  }
0x27: {  	[tilespmem:$0x10180] =	vst v6  }
0x28: {  	[tilespmem:$0x10190] =	vst v7  }
0x29: {  	[tilespmem:$0x10200] =	vst v8  }
0x2a: {  	[tilespmem:$0x10210] =	vst v9  }
0x2b: {  	[tilespmem:$0x10280] =	vst v10  }
0x2c: {  	[tilespmem:$0x10290] =	vst v11  }
0x2d: {  	[tilespmem:$0x10300] =	vst v12  }
0x2e: {  	[tilespmem:$0x10310] =	vst v13  }
0x2f: {  	[tilespmem:$0x10380] =	vst v14  }
0x30: {  	[tilespmem:$0x10390] =	vst v15  }
0x31: {  	_ =	swait.ge [sflag:s10], $0x8000  }
0x32: {  	[sflag:s10] =	ssyncset.done $0x0  }
0x33: {  	s26 =	rddreg [dreg:$0x5];
	[sflag:s10] =	ssyncadd.s32 $0xFFFF8000  }
0x34: {  	[hbm4b:s26+s3] =	stream.linear.scatter [tilespmem:s3], [sflag:$0x1], $0x8000, $0x38;
	[tilespmem:$0x10800] =	vst v63  }
0x35: {  	v19 =	vld [tilespmem:$0x10000];
	_ =	sdelay $0x4  }
0x36: {  	v20 =	vshll.u32 v19, $0x3  }
0x37: {  	v19 =	vand.u32 $0x7, v19;
	v20 =	vand.u32 $0xFFFFFFC0, v20  }
0x38: {  	v19 =	vor.u32 v19, v20  }
0x39: {  	v20 =	vperm.xlane v19, v16;
	_ =	sdelay $0x1  }
0x3a: {  	v20 =	vadd.s32 v17, v20;
	_ =	sdelay $0x4  }
0x3b: {  	[hbm4b:s2+s3] =	stream.indirect_vreg.scatter [tilespmem:s3], [sflag:$0x1], $0x80, v20, vm0, $0xb8;
	[tilespmem:$0x10800] =	vst v63  }
0x3c: {  	s23 =	simm.s32 $0x800;
	v19 =	vperm.xlane v19, v18  }
0x3d: {  	[hbm4b:s5+s3] =	stream.indirect_vreg.scatter [tilespmem:s23], [sflag:$0x1], $0x80, v20, vm0, $0xb8;
	[tilespmem:$0x10800] =	vst v63  }
0x3e: {  	s24 =	simm.s32 $0x1000;
	v19 =	vadd.s32 v17, v19  }
0x3f: {  	[hbm4b:s6+s3] =	stream.indirect_vreg.scatter [tilespmem:s24], [sflag:$0x1], $0x80, v20, vm0, $0xb8;
	[tilespmem:$0x10800] =	vst v63  }
0x40: {  	s25 =	simm.s32 $0x1800  }
0x41: {  	[hbm4b:s7+s3] =	stream.indirect_vreg.scatter [tilespmem:s25], [sflag:$0x1], $0x80, v20, vm0, $0xb8;
	[tilespmem:$0x10800] =	vst v63  }
0x42: {  	s26 =	simm.s32 $0x2000  }
0x43: {  	[hbm4b:s2+s3] =	stream.indirect_vreg.scatter [tilespmem:s26], [sflag:$0x1], $0x80, v19, vm0, $0xb8;
	[tilespmem:$0x10800] =	vst v63  }
0x44: {  	s28 =	simm.s32 $0x2800  }
0x45: {  	[hbm4b:s5+s3] =	stream.indirect_vreg.scatter [tilespmem:s28], [sflag:$0x1], $0x80, v19, vm0, $0xb8;
	[tilespmem:$0x10800] =	vst v63  }
0x46: {  	_ = 	snop  }
0x47: {  	[hbm4b:s6+s3] =	stream.indirect_vreg.scatter [tilespmem:s29], [sflag:$0x1], $0x80, v19, vm0, $0xb8;
	[tilespmem:$0x10800] =	vst v63  }
0x48: {  	_ = 	snop  }
0x49: {  	[hbm4b:s7+s3] =	stream.indirect_vreg.scatter [tilespmem:s30], [sflag:$0x1], $0x80, v19, vm0, $0xb8;
	[tilespmem:$0x10800] =	vst v63  }
0x4a: {  	v19 =	vld [tilespmem:$0x10010];
	_ =	sdelay $0x4  }
0x4b: {  	v20 =	vshll.u32 v19, $0x3  }
0x4c: {  	v19 =	vand.u32 $0x7, v19;
	v20 =	vand.u32 $0xFFFFFFC0, v20  }
0x4d: {  	v19 =	vor.u32 v19, v20  }
0x4e: {  	v20 =	vperm.xlane v19, v16;
	_ =	sdelay $0x1  }
0x4f: {  	v20 =	vadd.s32 v17, v20;
	_ =	sdelay $0x4  }
0x50: {  	[hbm4b:s2+s3] =	stream.indirect_vreg.scatter [tilespmem:s31], [sflag:$0x1], $0x80, v20, vm0, $0xb8;
	[tilespmem:$0x10800] =	vst v63  }
0x51: {  	s1 =	simm.s32 $0x4800;
	v19 =	vperm.xlane v19, v18  }
0x52: {  	[hbm4b:s5+s3] =	stream.indirect_vreg.scatter [tilespmem:s1], [sflag:$0x1], $0x80, v20, vm0, $0xb8;
	[tilespmem:$0x10800] =	vst v63  }
0x53: {  	s0 =	simm.s32 $0x5000;
	v19 =	vadd.s32 v17, v19  }
0x54: {  	[hbm4b:s6+s3] =	stream.indirect_vreg.scatter [tilespmem:s0], [sflag:$0x1], $0x80, v20, vm0, $0xb8;
	[tilespmem:$0x10800] =	vst v63  }
0x55: {  	s4 =	simm.s32 $0x5800  }
0x56: {  	[hbm4b:s7+s3] =	stream.indirect_vreg.scatter [tilespmem:s4], [sflag:$0x1], $0x80, v20, vm0, $0xb8;
	[tilespmem:$0x10800] =	vst v63  }
0x57: {  	s11 =	simm.s32 $0x6000  }
0x58: {  	[hbm4b:s2+s3] =	stream.indirect_vreg.scatter [tilespmem:s11], [sflag:$0x1], $0x80, v19, vm0, $0xb8;
	[tilespmem:$0x10800] =	vst v63  }
0x59: {  	s12 =	simm.s32 $0x6800  }
0x5a: {  	[hbm4b:s5+s3] =	stream.indirect_vreg.scatter [tilespmem:s12], [sflag:$0x1], $0x80, v19, vm0, $0xb8;
	[tilespmem:$0x10800] =	vst v63  }
0x5b: {  	s13 =	simm.s32 $0x7000  }
0x5c: {  	[hbm4b:s6+s3] =	stream.indirect_vreg.scatter [tilespmem:s13], [sflag:$0x1], $0x80, v19, vm0, $0xb8;
	[tilespmem:$0x10800] =	vst v63  }
0x5d: {  	s14 =	simm.s32 $0x7800  }
0x5e: {  	[hbm4b:s7+s3] =	stream.indirect_vreg.scatter [tilespmem:s14], [sflag:$0x1], $0x80, v19, vm0, $0xb8;
	[tilespmem:$0x10800] =	vst v63  }
0x5f: {  	s22 =	rddreg [dreg:$0x6]  }
0x60: {  	[hbm4b:s22+s3] =	stream.linear.scatter [tilespmem:s3], [sflag:$0x1], $0x8000, $0x38;
	[tilespmem:$0x10800] =	vst v63  }
0x61: {  	v19 =	vld [tilespmem:$0x10100];
	_ =	sdelay $0x4  }
0x62: {  	v20 =	vshll.u32 v19, $0x3  }
0x63: {  	v19 =	vand.u32 $0x7, v19;
	v20 =	vand.u32 $0xFFFFFFC0, v20  }
0x64: {  	v19 =	vor.u32 v19, v20  }
0x65: {  	v20 =	vperm.xlane v19, v16;
	_ =	sdelay $0x1  }
0x66: {  	v20 =	vadd.s32 v17, v20;
	_ =	sdelay $0x4  }
0x67: {  	[hbm4b:s2+s3] =	stream.indirect_vreg.scatter [tilespmem:s3], [sflag:$0x1], $0x80, v20, vm0, $0xb8;
	[tilespmem:$0x10800] =	vst v63  }
0x68: {  	v19 =	vperm.xlane v19, v18  }
0x69: {  	[hbm4b:s5+s3] =	stream.indirect_vreg.scatter [tilespmem:s23], [sflag:$0x1], $0x80, v20, vm0, $0xb8;
	[tilespmem:$0x10800] =	vst v63  }
0x6a: {  	v19 =	vadd.s32 v17, v19  }
0x6b: {  	[hbm4b:s6+s3] =	stream.indirect_vreg.scatter [tilespmem:s24], [sflag:$0x1], $0x80, v20, vm0, $0xb8;
	[tilespmem:$0x10800] =	vst v63  }
0x6c: {  	_ = 	snop  }
0x6d: {  	[hbm4b:s7+s3] =	stream.indirect_vreg.scatter [tilespmem:s25], [sflag:$0x1], $0x80, v20, vm0, $0xb8;
	[tilespmem:$0x10800] =	vst v63  }
0x6e: {  	_ = 	snop  }
0x6f: {  	[hbm4b:s2+s3] =	stream.indirect_vreg.scatter [tilespmem:s26], [sflag:$0x1], $0x80, v19, vm0, $0xb8;
	[tilespmem:$0x10800] =	vst v63  }
0x70: {  	_ = 	snop  }
0x71: {  	[hbm4b:s5+s3] =	stream.indirect_vreg.scatter [tilespmem:s28], [sflag:$0x1], $0x80, v19, vm0, $0xb8;
	[tilespmem:$0x10800] =	vst v63  }
0x72: {  	_ = 	snop  }
0x73: {  	[hbm4b:s6+s3] =	stream.indirect_vreg.scatter [tilespmem:s29], [sflag:$0x1], $0x80, v19, vm0, $0xb8;
	[tilespmem:$0x10800] =	vst v63  }
0x74: {  	_ = 	snop  }
0x75: {  	[hbm4b:s7+s3] =	stream.indirect_vreg.scatter [tilespmem:s30], [sflag:$0x1], $0x80, v19, vm0, $0xb8;
	[tilespmem:$0x10800] =	vst v63  }
0x76: {  	v19 =	vld [tilespmem:$0x10110];
	_ =	sdelay $0x4  }
0x77: {  	v20 =	vshll.u32 v19, $0x3  }
0x78: {  	v19 =	vand.u32 $0x7, v19;
	v20 =	vand.u32 $0xFFFFFFC0, v20  }
0x79: {  	v19 =	vor.u32 v19, v20  }
0x7a: {  	v20 =	vperm.xlane v19, v16;
	_ =	sdelay $0x1  }
0x7b: {  	v20 =	vadd.s32 v17, v20;
	_ =	sdelay $0x4  }
0x7c: {  	[hbm4b:s2+s3] =	stream.indirect_vreg.scatter [tilespmem:s31], [sflag:$0x1], $0x80, v20, vm0, $0xb8;
	[tilespmem:$0x10800] =	vst v63  }
0x7d: {  	v19 =	vperm.xlane v19, v18  }
0x7e: {  	[hbm4b:s5+s3] =	stream.indirect_vreg.scatter [tilespmem:s1], [sflag:$0x1], $0x80, v20, vm0, $0xb8;
	[tilespmem:$0x10800] =	vst v63  }
0x7f: {  	v19 =	vadd.s32 v17, v19  }
0x80: {  	[hbm4b:s6+s3] =	stream.indirect_vreg.scatter [tilespmem:s0], [sflag:$0x1], $0x80, v20, vm0, $0xb8;
	[tilespmem:$0x10800] =	vst v63  }
0x81: {  	_ = 	snop  }
0x82: {  	[hbm4b:s7+s3] =	stream.indirect_vreg.scatter [tilespmem:s4], [sflag:$0x1], $0x80, v20, vm0, $0xb8;
	[tilespmem:$0x10800] =	vst v63  }
0x83: {  	_ = 	snop  }
0x84: {  	[hbm4b:s2+s3] =	stream.indirect_vreg.scatter [tilespmem:s11], [sflag:$0x1], $0x80, v19, vm0, $0xb8;
	[tilespmem:$0x10800] =	vst v63  }
0x85: {  	_ = 	snop  }
0x86: {  	[hbm4b:s5+s3] =	stream.indirect_vreg.scatter [tilespmem:s12], [sflag:$0x1], $0x80, v19, vm0, $0xb8;
	[tilespmem:$0x10800] =	vst v63  }
0x87: {  	_ = 	snop  }
0x88: {  	[hbm4b:s6+s3] =	stream.indirect_vreg.scatter [tilespmem:s13], [sflag:$0x1], $0x80, v19, vm0, $0xb8;
	[tilespmem:$0x10800] =	vst v63  }
0x89: {  	_ = 	snop  }
0x8a: {  	[hbm4b:s7+s3] =	stream.indirect_vreg.scatter [tilespmem:s14], [sflag:$0x1], $0x80, v19, vm0, $0xb8;
	[tilespmem:$0x10800] =	vst v63  }
0x8b: {  	s22 =	rddreg [dreg:$0x7]  }
0x8c: {  	[hbm4b:s22+s3] =	stream.linear.scatter [tilespmem:s3], [sflag:$0x1], $0x8000, $0x38;
	[tilespmem:$0x10800] =	vst v63  }
0x8d: {  	v19 =	vld [tilespmem:$0x10200];
	_ =	sdelay $0x4  }
0x8e: {  	v20 =	vshll.u32 v19, $0x3  }
0x8f: {  	v19 =	vand.u32 $0x7, v19;
	v20 =	vand.u32 $0xFFFFFFC0, v20  }
0x90: {  	v19 =	vor.u32 v19, v20  }
0x91: {  	v20 =	vperm.xlane v19, v16;
	_ =	sdelay $0x1  }
0x92: {  	v20 =	vadd.s32 v17, v20;
	_ =	sdelay $0x4  }
0x93: {  	[hbm4b:s2+s3] =	stream.indirect_vreg.scatter [tilespmem:s3], [sflag:$0x1], $0x80, v20, vm0, $0xb8;
	[tilespmem:$0x10800] =	vst v63  }
0x94: {  	v19 =	vperm.xlane v19, v18  }
0x95: {  	[hbm4b:s5+s3] =	stream.indirect_vreg.scatter [tilespmem:s23], [sflag:$0x1], $0x80, v20, vm0, $0xb8;
	[tilespmem:$0x10800] =	vst v63  }
0x96: {  	v19 =	vadd.s32 v17, v19  }
0x97: {  	[hbm4b:s6+s3] =	stream.indirect_vreg.scatter [tilespmem:s24], [sflag:$0x1], $0x80, v20, vm0, $0xb8;
	[tilespmem:$0x10800] =	vst v63  }
0x98: {  	_ = 	snop  }
0x99: {  	[hbm4b:s7+s3] =	stream.indirect_vreg.scatter [tilespmem:s25], [sflag:$0x1], $0x80, v20, vm0, $0xb8;
	[tilespmem:$0x10800] =	vst v63  }
0x9a: {  	_ = 	snop  }
0x9b: {  	[hbm4b:s2+s3] =	stream.indirect_vreg.scatter [tilespmem:s26], [sflag:$0x1], $0x80, v19, vm0, $0xb8;
	[tilespmem:$0x10800] =	vst v63  }
0x9c: {  	_ = 	snop  }
0x9d: {  	[hbm4b:s5+s3] =	stream.indirect_vreg.scatter [tilespmem:s28], [sflag:$0x1], $0x80, v19, vm0, $0xb8;
	[tilespmem:$0x10800] =	vst v63  }
0x9e: {  	_ = 	snop  }
0x9f: {  	[hbm4b:s6+s3] =	stream.indirect_vreg.scatter [tilespmem:s29], [sflag:$0x1], $0x80, v19, vm0, $0xb8;
	[tilespmem:$0x10800] =	vst v63  }
0xa0: {  	_ = 	snop  }
0xa1: {  	[hbm4b:s7+s3] =	stream.indirect_vreg.scatter [tilespmem:s30], [sflag:$0x1], $0x80, v19, vm0, $0xb8;
	[tilespmem:$0x10800] =	vst v63  }
0xa2: {  	v19 =	vld [tilespmem:$0x10210];
	_ =	sdelay $0x4  }
0xa3: {  	v20 =	vshll.u32 v19, $0x3  }
0xa4: {  	v19 =	vand.u32 $0x7, v19;
	v20 =	vand.u32 $0xFFFFFFC0, v20  }
0xa5: {  	v19 =	vor.u32 v19, v20  }
0xa6: {  	v20 =	vperm.xlane v19, v16;
	_ =	sdelay $0x1  }
0xa7: {  	v20 =	vadd.s32 v17, v20;
	_ =	sdelay $0x4  }
0xa8: {  	[hbm4b:s2+s3] =	stream.indirect_vreg.scatter [tilespmem:s31], [sflag:$0x1], $0x80, v20, vm0, $0xb8;
	[tilespmem:$0x10800] =	vst v63  }
0xa9: {  	v19 =	vperm.xlane v19, v18  }
0xaa: {  	[hbm4b:s5+s3] =	stream.indirect_vreg.scatter [tilespmem:s1], [sflag:$0x1], $0x80, v20, vm0, $0xb8;
	[tilespmem:$0x10800] =	vst v63  }
0xab: {  	v19 =	vadd.s32 v17, v19  }
0xac: {  	[hbm4b:s6+s3] =	stream.indirect_vreg.scatter [tilespmem:s0], [sflag:$0x1], $0x80, v20, vm0, $0xb8;
	[tilespmem:$0x10800] =	vst v63  }
0xad: {  	_ = 	snop  }
0xae: {  	[hbm4b:s7+s3] =	stream.indirect_vreg.scatter [tilespmem:s4], [sflag:$0x1], $0x80, v20, vm0, $0xb8;
	[tilespmem:$0x10800] =	vst v63  }
0xaf: {  	_ = 	snop  }
0xb0: {  	[hbm4b:s2+s3] =	stream.indirect_vreg.scatter [tilespmem:s11], [sflag:$0x1], $0x80, v19, vm0, $0xb8;
	[tilespmem:$0x10800] =	vst v63  }
0xb1: {  	_ = 	snop  }
0xb2: {  	[hbm4b:s5+s3] =	stream.indirect_vreg.scatter [tilespmem:s12], [sflag:$0x1], $0x80, v19, vm0, $0xb8;
	[tilespmem:$0x10800] =	vst v63  }
0xb3: {  	_ = 	snop  }
0xb4: {  	[hbm4b:s6+s3] =	stream.indirect_vreg.scatter [tilespmem:s13], [sflag:$0x1], $0x80, v19, vm0, $0xb8;
	[tilespmem:$0x10800] =	vst v63  }
0xb5: {  	_ = 	snop  }
0xb6: {  	[hbm4b:s7+s3] =	stream.indirect_vreg.scatter [tilespmem:s14], [sflag:$0x1], $0x80, v19, vm0, $0xb8;
	[tilespmem:$0x10800] =	vst v63  }
0xb7: {  	s22 =	rddreg [dreg:$0x8]  }
0xb8: {  	[hbm4b:s22+s3] =	stream.linear.scatter [tilespmem:s3], [sflag:$0x1], $0x8000, $0x38;
	[tilespmem:$0x10800] =	vst v63  }
0xb9: {  	v19 =	vld [tilespmem:$0x10300];
	_ =	sdelay $0x4  }
0xba: {  	v20 =	vshll.u32 v19, $0x3  }
0xbb: {  	v19 =	vand.u32 $0x7, v19;
	v20 =	vand.u32 $0xFFFFFFC0, v20  }
0xbc: {  	v19 =	vor.u32 v19, v20  }
0xbd: {  	v20 =	vperm.xlane v19, v16;
	_ =	sdelay $0x1  }
0xbe: {  	v20 =	vadd.s32 v17, v20;
	_ =	sdelay $0x4  }
0xbf: {  	[hbm4b:s2+s3] =	stream.indirect_vreg.scatter [tilespmem:s3], [sflag:$0x1], $0x80, v20, vm0, $0xb8;
	[tilespmem:$0x10800] =	vst v63  }
0xc0: {  	v19 =	vperm.xlane v19, v18  }
0xc1: {  	[hbm4b:s5+s3] =	stream.indirect_vreg.scatter [tilespmem:s23], [sflag:$0x1], $0x80, v20, vm0, $0xb8;
	[tilespmem:$0x10800] =	vst v63  }
0xc2: {  	v19 =	vadd.s32 v17, v19  }
0xc3: {  	[hbm4b:s6+s3] =	stream.indirect_vreg.scatter [tilespmem:s24], [sflag:$0x1], $0x80, v20, vm0, $0xb8;
	[tilespmem:$0x10800] =	vst v63  }
0xc4: {  	_ = 	snop  }
0xc5: {  	[hbm4b:s7+s3] =	stream.indirect_vreg.scatter [tilespmem:s25], [sflag:$0x1], $0x80, v20, vm0, $0xb8;
	[tilespmem:$0x10800] =	vst v63  }
0xc6: {  	_ = 	snop  }
0xc7: {  	[hbm4b:s2+s3] =	stream.indirect_vreg.scatter [tilespmem:s26], [sflag:$0x1], $0x80, v19, vm0, $0xb8;
	[tilespmem:$0x10800] =	vst v63  }
0xc8: {  	_ = 	snop  }
0xc9: {  	[hbm4b:s5+s3] =	stream.indirect_vreg.scatter [tilespmem:s28], [sflag:$0x1], $0x80, v19, vm0, $0xb8;
	[tilespmem:$0x10800] =	vst v63  }
0xca: {  	_ = 	snop  }
0xcb: {  	[hbm4b:s6+s3] =	stream.indirect_vreg.scatter [tilespmem:s29], [sflag:$0x1], $0x80, v19, vm0, $0xb8;
	[tilespmem:$0x10800] =	vst v63  }
0xcc: {  	_ = 	snop  }
0xcd: {  	[hbm4b:s7+s3] =	stream.indirect_vreg.scatter [tilespmem:s30], [sflag:$0x1], $0x80, v19, vm0, $0xb8;
	[tilespmem:$0x10800] =	vst v63  }
0xce: {  	v19 =	vld [tilespmem:$0x10310];
	_ =	sdelay $0x4  }
0xcf: {  	v20 =	vshll.u32 v19, $0x3  }
0xd0: {  	v19 =	vand.u32 $0x7, v19;
	v20 =	vand.u32 $0xFFFFFFC0, v20  }
0xd1: {  	v19 =	vor.u32 v19, v20  }
0xd2: {  	v20 =	vperm.xlane v19, v16;
	_ =	sdelay $0x1  }
0xd3: {  	v20 =	vadd.s32 v17, v20;
	_ =	sdelay $0x4  }
0xd4: {  	[hbm4b:s2+s3] =	stream.indirect_vreg.scatter [tilespmem:s31], [sflag:$0x1], $0x80, v20, vm0, $0xb8;
	[tilespmem:$0x10800] =	vst v63  }
0xd5: {  	v19 =	vperm.xlane v19, v18  }
0xd6: {  	[hbm4b:s5+s3] =	stream.indirect_vreg.scatter [tilespmem:s1], [sflag:$0x1], $0x80, v20, vm0, $0xb8;
	[tilespmem:$0x10800] =	vst v63  }
0xd7: {  	v19 =	vadd.s32 v17, v19  }
0xd8: {  	[hbm4b:s6+s3] =	stream.indirect_vreg.scatter [tilespmem:s0], [sflag:$0x1], $0x80, v20, vm0, $0xb8;
	[tilespmem:$0x10800] =	vst v63  }
0xd9: {  	_ = 	snop  }
0xda: {  	[hbm4b:s7+s3] =	stream.indirect_vreg.scatter [tilespmem:s4], [sflag:$0x1], $0x80, v20, vm0, $0xb8;
	[tilespmem:$0x10800] =	vst v63  }
0xdb: {  	_ = 	snop  }
0xdc: {  	[hbm4b:s2+s3] =	stream.indirect_vreg.scatter [tilespmem:s11], [sflag:$0x1], $0x80, v19, vm0, $0xb8;
	[tilespmem:$0x10800] =	vst v63  }
0xdd: {  	_ = 	snop  }
0xde: {  	[hbm4b:s5+s3] =	stream.indirect_vreg.scatter [tilespmem:s12], [sflag:$0x1], $0x80, v19, vm0, $0xb8;
	[tilespmem:$0x10800] =	vst v63  }
0xdf: {  	_ = 	snop  }
0xe0: {  	[hbm4b:s6+s3] =	stream.indirect_vreg.scatter [tilespmem:s13], [sflag:$0x1], $0x80, v19, vm0, $0xb8;
	[tilespmem:$0x10800] =	vst v63  }
0xe1: {  	_ = 	snop  }
0xe2: {  	[hbm4b:s7+s3] =	stream.indirect_vreg.scatter [tilespmem:s14], [sflag:$0x1], $0x80, v19, vm0, $0xb8;
	[tilespmem:$0x10800] =	vst v63  }
0xe3: {  	_ =	swait.ge [sflag:s10], $0x8000  }
0xe4: {  	[sflag:s10] =	ssyncset.done $0x0  }
0xe5: {  	s28 =	rddreg [dreg:$0x9];
	[sflag:s10] =	ssyncadd.s32 $0xFFFF8000  }
0xe6: {  	[hbm4b:s28+s3] =	stream.linear.scatter [tilespmem:s9], [sflag:$0x1], $0x8000, $0x38;
	[tilespmem:$0x10800] =	vst v63  }
0xe7: {  	v19 =	vld [tilespmem:$0x10080];
	_ =	sdelay $0x4  }
0xe8: {  	v20 =	vshll.u32 v19, $0x3  }
0xe9: {  	v19 =	vand.u32 $0x7, v19;
	v20 =	vand.u32 $0xFFFFFFC0, v20  }
0xea: {  	v19 =	vor.u32 v19, v20  }
0xeb: {  	v20 =	vperm.xlane v19, v16;
	_ =	sdelay $0x1  }
0xec: {  	v20 =	vadd.s32 v17, v20;
	_ =	sdelay $0x4  }
0xed: {  	[hbm4b:s2+s3] =	stream.indirect_vreg.scatter [tilespmem:s9], [sflag:$0x1], $0x80, v20, vm0, $0xb8;
	[tilespmem:$0x10800] =	vst v63  }
0xee: {  	s0 =	simm.s32 $0x8800;
	v19 =	vperm.xlane v19, v18  }
0xef: {  	[hbm4b:s5+s3] =	stream.indirect_vreg.scatter [tilespmem:s0], [sflag:$0x1], $0x80, v20, vm0, $0xb8;
	[tilespmem:$0x10800] =	vst v63  }
0xf0: {  	s1 =	simm.s32 $0x9000;
	v19 =	vadd.s32 v17, v19  }
0xf1: {  	[hbm4b:s6+s3] =	stream.indirect_vreg.scatter [tilespmem:s1], [sflag:$0x1], $0x80, v20, vm0, $0xb8;
	[tilespmem:$0x10800] =	vst v63  }
0xf2: {  	s4 =	simm.s32 $0x9800  }
0xf3: {  	[hbm4b:s7+s3] =	stream.indirect_vreg.scatter [tilespmem:s4], [sflag:$0x1], $0x80, v20, vm0, $0xb8;
	[tilespmem:$0x10800] =	vst v63  }
0xf4: {  	s11 =	simm.s32 $0xA000  }
0xf5: {  	[hbm4b:s2+s3] =	stream.indirect_vreg.scatter [tilespmem:s11], [sflag:$0x1], $0x80, v19, vm0, $0xb8;
	[tilespmem:$0x10800] =	vst v63  }
0xf6: {  	s12 =	simm.s32 $0xA800  }
0xf7: {  	[hbm4b:s5+s3] =	stream.indirect_vreg.scatter [tilespmem:s12], [sflag:$0x1], $0x80, v19, vm0, $0xb8;
	[tilespmem:$0x10800] =	vst v63  }
0xf8: {  	s13 =	simm.s32 $0xB000  }
0xf9: {  	[hbm4b:s6+s3] =	stream.indirect_vreg.scatter [tilespmem:s13], [sflag:$0x1], $0x80, v19, vm0, $0xb8;
	[tilespmem:$0x10800] =	vst v63  }
0xfa: {  	s14 =	simm.s32 $0xB800  }
0xfb: {  	[hbm4b:s7+s3] =	stream.indirect_vreg.scatter [tilespmem:s14], [sflag:$0x1], $0x80, v19, vm0, $0xb8;
	[tilespmem:$0x10800] =	vst v63  }
0xfc: {  	v19 =	vld [tilespmem:$0x10090];
	_ =	sdelay $0x4  }
0xfd: {  	v20 =	vshll.u32 v19, $0x3  }
0xfe: {  	v19 =	vand.u32 $0x7, v19;
	v20 =	vand.u32 $0xFFFFFFC0, v20  }
0xff: {  	v19 =	vor.u32 v19, v20  }
0x100: {  	v20 =	vperm.xlane v19, v16;
	_ =	sdelay $0x1  }
0x101: {  	v20 =	vadd.s32 v17, v20;
	_ =	sdelay $0x3  }
0x102: {  	s23 =	simm.s32 $0xC000  }
0x103: {  	[hbm4b:s2+s3] =	stream.indirect_vreg.scatter [tilespmem:s23], [sflag:$0x1], $0x80, v20, vm0, $0xb8;
	[tilespmem:$0x10800] =	vst v63  }
0x104: {  	s24 =	simm.s32 $0xC800;
	v19 =	vperm.xlane v19, v18  }
0x105: {  	[hbm4b:s5+s3] =	stream.indirect_vreg.scatter [tilespmem:s24], [sflag:$0x1], $0x80, v20, vm0, $0xb8;
	[tilespmem:$0x10800] =	vst v63  }
0x106: {  	s25 =	simm.s32 $0xD000;
	v19 =	vadd.s32 v17, v19  }
0x107: {  	[hbm4b:s6+s3] =	stream.indirect_vreg.scatter [tilespmem:s25], [sflag:$0x1], $0x80, v20, vm0, $0xb8;
	[tilespmem:$0x10800] =	vst v63  }
0x108: {  	s26 =	simm.s32 $0xD800  }
0x109: {  	[hbm4b:s7+s3] =	stream.indirect_vreg.scatter [tilespmem:s26], [sflag:$0x1], $0x80, v20, vm0, $0xb8;
	[tilespmem:$0x10800] =	vst v63  }
0x10a: {  	s28 =	simm.s32 $0xE000  }
0x10b: {  	[hbm4b:s2+s3] =	stream.indirect_vreg.scatter [tilespmem:s28], [sflag:$0x1], $0x80, v19, vm0, $0xb8;
	[tilespmem:$0x10800] =	vst v63  }
0x10c: {  	_ = 	snop  }
0x10d: {  	[hbm4b:s5+s3] =	stream.indirect_vreg.scatter [tilespmem:s15], [sflag:$0x1], $0x80, v19, vm0, $0xb8;
	[tilespmem:$0x10800] =	vst v63  }
0x10e: {  	_ = 	snop  }
0x10f: {  	[hbm4b:s6+s3] =	stream.indirect_vreg.scatter [tilespmem:s16], [sflag:$0x1], $0x80, v19, vm0, $0xb8;
	[tilespmem:$0x10800] =	vst v63  }
0x110: {  	_ = 	snop  }
0x111: {  	[hbm4b:s7+s3] =	stream.indirect_vreg.scatter [tilespmem:s17], [sflag:$0x1], $0x80, v19, vm0, $0xb8;
	[tilespmem:$0x10800] =	vst v63  }
0x112: {  	s22 =	rddreg [dreg:$0xa]  }
0x113: {  	[hbm4b:s22+s3] =	stream.linear.scatter [tilespmem:s9], [sflag:$0x1], $0x8000, $0x38;
	[tilespmem:$0x10800] =	vst v63  }
0x114: {  	v19 =	vld [tilespmem:$0x10180];
	_ =	sdelay $0x4  }
0x115: {  	v20 =	vshll.u32 v19, $0x3  }
0x116: {  	v19 =	vand.u32 $0x7, v19;
	v20 =	vand.u32 $0xFFFFFFC0, v20  }
0x117: {  	v19 =	vor.u32 v19, v20  }
0x118: {  	v20 =	vperm.xlane v19, v16;
	_ =	sdelay $0x1  }
0x119: {  	v20 =	vadd.s32 v17, v20;
	_ =	sdelay $0x4  }
0x11a: {  	[hbm4b:s2+s3] =	stream.indirect_vreg.scatter [tilespmem:s9], [sflag:$0x1], $0x80, v20, vm0, $0xb8;
	[tilespmem:$0x10800] =	vst v63  }
0x11b: {  	v19 =	vperm.xlane v19, v18  }
0x11c: {  	[hbm4b:s5+s3] =	stream.indirect_vreg.scatter [tilespmem:s0], [sflag:$0x1], $0x80, v20, vm0, $0xb8;
	[tilespmem:$0x10800] =	vst v63  }
0x11d: {  	v19 =	vadd.s32 v17, v19  }
0x11e: {  	[hbm4b:s6+s3] =	stream.indirect_vreg.scatter [tilespmem:s1], [sflag:$0x1], $0x80, v20, vm0, $0xb8;
	[tilespmem:$0x10800] =	vst v63  }
0x11f: {  	_ = 	snop  }
0x120: {  	[hbm4b:s7+s3] =	stream.indirect_vreg.scatter [tilespmem:s4], [sflag:$0x1], $0x80, v20, vm0, $0xb8;
	[tilespmem:$0x10800] =	vst v63  }
0x121: {  	_ = 	snop  }
0x122: {  	[hbm4b:s2+s3] =	stream.indirect_vreg.scatter [tilespmem:s11], [sflag:$0x1], $0x80, v19, vm0, $0xb8;
	[tilespmem:$0x10800] =	vst v63  }
0x123: {  	_ = 	snop  }
0x124: {  	[hbm4b:s5+s3] =	stream.indirect_vreg.scatter [tilespmem:s12], [sflag:$0x1], $0x80, v19, vm0, $0xb8;
	[tilespmem:$0x10800] =	vst v63  }
0x125: {  	_ = 	snop  }
0x126: {  	[hbm4b:s6+s3] =	stream.indirect_vreg.scatter [tilespmem:s13], [sflag:$0x1], $0x80, v19, vm0, $0xb8;
	[tilespmem:$0x10800] =	vst v63  }
0x127: {  	_ = 	snop  }
0x128: {  	[hbm4b:s7+s3] =	stream.indirect_vreg.scatter [tilespmem:s14], [sflag:$0x1], $0x80, v19, vm0, $0xb8;
	[tilespmem:$0x10800] =	vst v63  }
0x129: {  	v19 =	vld [tilespmem:$0x10190];
	_ =	sdelay $0x4  }
0x12a: {  	v20 =	vshll.u32 v19, $0x3  }
0x12b: {  	v19 =	vand.u32 $0x7, v19;
	v20 =	vand.u32 $0xFFFFFFC0, v20  }
0x12c: {  	v19 =	vor.u32 v19, v20  }
0x12d: {  	v20 =	vperm.xlane v19, v16;
	_ =	sdelay $0x1  }
0x12e: {  	v20 =	vadd.s32 v17, v20;
	_ =	sdelay $0x4  }
0x12f: {  	[hbm4b:s2+s3] =	stream.indirect_vreg.scatter [tilespmem:s23], [sflag:$0x1], $0x80, v20, vm0, $0xb8;
	[tilespmem:$0x10800] =	vst v63  }
0x130: {  	v19 =	vperm.xlane v19, v18  }
0x131: {  	[hbm4b:s5+s3] =	stream.indirect_vreg.scatter [tilespmem:s24], [sflag:$0x1], $0x80, v20, vm0, $0xb8;
	[tilespmem:$0x10800] =	vst v63  }
0x132: {  	v19 =	vadd.s32 v17, v19  }
0x133: {  	[hbm4b:s6+s3] =	stream.indirect_vreg.scatter [tilespmem:s25], [sflag:$0x1], $0x80, v20, vm0, $0xb8;
	[tilespmem:$0x10800] =	vst v63  }
0x134: {  	_ = 	snop  }
0x135: {  	[hbm4b:s7+s3] =	stream.indirect_vreg.scatter [tilespmem:s26], [sflag:$0x1], $0x80, v20, vm0, $0xb8;
	[tilespmem:$0x10800] =	vst v63  }
0x136: {  	_ = 	snop  }
0x137: {  	[hbm4b:s2+s3] =	stream.indirect_vreg.scatter [tilespmem:s28], [sflag:$0x1], $0x80, v19, vm0, $0xb8;
	[tilespmem:$0x10800] =	vst v63  }
0x138: {  	_ = 	snop  }
0x139: {  	[hbm4b:s5+s3] =	stream.indirect_vreg.scatter [tilespmem:s15], [sflag:$0x1], $0x80, v19, vm0, $0xb8;
	[tilespmem:$0x10800] =	vst v63  }
0x13a: {  	_ = 	snop  }
0x13b: {  	[hbm4b:s6+s3] =	stream.indirect_vreg.scatter [tilespmem:s16], [sflag:$0x1], $0x80, v19, vm0, $0xb8;
	[tilespmem:$0x10800] =	vst v63  }
0x13c: {  	_ = 	snop  }
0x13d: {  	[hbm4b:s7+s3] =	stream.indirect_vreg.scatter [tilespmem:s17], [sflag:$0x1], $0x80, v19, vm0, $0xb8;
	[tilespmem:$0x10800] =	vst v63  }
0x13e: {  	s22 =	rddreg [dreg:$0xb]  }
0x13f: {  	[hbm4b:s22+s3] =	stream.linear.scatter [tilespmem:s9], [sflag:$0x1], $0x8000, $0x38;
	[tilespmem:$0x10800] =	vst v63  }
0x140: {  	v19 =	vld [tilespmem:$0x10280];
	_ =	sdelay $0x4  }
0x141: {  	v20 =	vshll.u32 v19, $0x3  }
0x142: {  	v19 =	vand.u32 $0x7, v19;
	v20 =	vand.u32 $0xFFFFFFC0, v20  }
0x143: {  	v19 =	vor.u32 v19, v20  }
0x144: {  	v20 =	vperm.xlane v19, v16;
	_ =	sdelay $0x1  }
0x145: {  	v20 =	vadd.s32 v17, v20;
	_ =	sdelay $0x4  }
0x146: {  	[hbm4b:s2+s3] =	stream.indirect_vreg.scatter [tilespmem:s9], [sflag:$0x1], $0x80, v20, vm0, $0xb8;
	[tilespmem:$0x10800] =	vst v63  }
0x147: {  	v19 =	vperm.xlane v19, v18  }
0x148: {  	[hbm4b:s5+s3] =	stream.indirect_vreg.scatter [tilespmem:s0], [sflag:$0x1], $0x80, v20, vm0, $0xb8;
	[tilespmem:$0x10800] =	vst v63  }
0x149: {  	v19 =	vadd.s32 v17, v19  }
0x14a: {  	[hbm4b:s6+s3] =	stream.indirect_vreg.scatter [tilespmem:s1], [sflag:$0x1], $0x80, v20, vm0, $0xb8;
	[tilespmem:$0x10800] =	vst v63  }
0x14b: {  	_ = 	snop  }
0x14c: {  	[hbm4b:s7+s3] =	stream.indirect_vreg.scatter [tilespmem:s4], [sflag:$0x1], $0x80, v20, vm0, $0xb8;
	[tilespmem:$0x10800] =	vst v63  }
0x14d: {  	_ = 	snop  }
0x14e: {  	[hbm4b:s2+s3] =	stream.indirect_vreg.scatter [tilespmem:s11], [sflag:$0x1], $0x80, v19, vm0, $0xb8;
	[tilespmem:$0x10800] =	vst v63  }
0x14f: {  	_ = 	snop  }
0x150: {  	[hbm4b:s5+s3] =	stream.indirect_vreg.scatter [tilespmem:s12], [sflag:$0x1], $0x80, v19, vm0, $0xb8;
	[tilespmem:$0x10800] =	vst v63  }
0x151: {  	_ = 	snop  }
0x152: {  	[hbm4b:s6+s3] =	stream.indirect_vreg.scatter [tilespmem:s13], [sflag:$0x1], $0x80, v19, vm0, $0xb8;
	[tilespmem:$0x10800] =	vst v63  }
0x153: {  	_ = 	snop  }
0x154: {  	[hbm4b:s7+s3] =	stream.indirect_vreg.scatter [tilespmem:s14], [sflag:$0x1], $0x80, v19, vm0, $0xb8;
	[tilespmem:$0x10800] =	vst v63  }
0x155: {  	v19 =	vld [tilespmem:$0x10290];
	_ =	sdelay $0x4  }
0x156: {  	v20 =	vshll.u32 v19, $0x3  }
0x157: {  	v19 =	vand.u32 $0x7, v19;
	v20 =	vand.u32 $0xFFFFFFC0, v20  }
0x158: {  	v19 =	vor.u32 v19, v20  }
0x159: {  	v20 =	vperm.xlane v19, v16;
	_ =	sdelay $0x1  }
0x15a: {  	v20 =	vadd.s32 v17, v20;
	_ =	sdelay $0x4  }
0x15b: {  	[hbm4b:s2+s3] =	stream.indirect_vreg.scatter [tilespmem:s23], [sflag:$0x1], $0x80, v20, vm0, $0xb8;
	[tilespmem:$0x10800] =	vst v63  }
0x15c: {  	v19 =	vperm.xlane v19, v18  }
0x15d: {  	[hbm4b:s5+s3] =	stream.indirect_vreg.scatter [tilespmem:s24], [sflag:$0x1], $0x80, v20, vm0, $0xb8;
	[tilespmem:$0x10800] =	vst v63  }
0x15e: {  	v19 =	vadd.s32 v17, v19  }
0x15f: {  	[hbm4b:s6+s3] =	stream.indirect_vreg.scatter [tilespmem:s25], [sflag:$0x1], $0x80, v20, vm0, $0xb8;
	[tilespmem:$0x10800] =	vst v63  }
0x160: {  	_ = 	snop  }
0x161: {  	[hbm4b:s7+s3] =	stream.indirect_vreg.scatter [tilespmem:s26], [sflag:$0x1], $0x80, v20, vm0, $0xb8;
	[tilespmem:$0x10800] =	vst v63  }
0x162: {  	_ = 	snop  }
0x163: {  	[hbm4b:s2+s3] =	stream.indirect_vreg.scatter [tilespmem:s28], [sflag:$0x1], $0x80, v19, vm0, $0xb8;
	[tilespmem:$0x10800] =	vst v63  }
0x164: {  	_ = 	snop  }
0x165: {  	[hbm4b:s5+s3] =	stream.indirect_vreg.scatter [tilespmem:s15], [sflag:$0x1], $0x80, v19, vm0, $0xb8;
	[tilespmem:$0x10800] =	vst v63  }
0x166: {  	_ = 	snop  }
0x167: {  	[hbm4b:s6+s3] =	stream.indirect_vreg.scatter [tilespmem:s16], [sflag:$0x1], $0x80, v19, vm0, $0xb8;
	[tilespmem:$0x10800] =	vst v63  }
0x168: {  	_ = 	snop  }
0x169: {  	[hbm4b:s7+s3] =	stream.indirect_vreg.scatter [tilespmem:s17], [sflag:$0x1], $0x80, v19, vm0, $0xb8;
	[tilespmem:$0x10800] =	vst v63  }
0x16a: {  	s22 =	rddreg [dreg:$0xc]  }
0x16b: {  	[hbm4b:s22+s3] =	stream.linear.scatter [tilespmem:s9], [sflag:$0x1], $0x8000, $0x38;
	[tilespmem:$0x10800] =	vst v63  }
0x16c: {  	v19 =	vld [tilespmem:$0x10380];
	_ =	sdelay $0x4  }
0x16d: {  	v20 =	vshll.u32 v19, $0x3  }
0x16e: {  	v19 =	vand.u32 $0x7, v19;
	v20 =	vand.u32 $0xFFFFFFC0, v20  }
0x16f: {  	v19 =	vor.u32 v19, v20  }
0x170: {  	v20 =	vperm.xlane v19, v16;
	_ =	sdelay $0x1  }
0x171: {  	v20 =	vadd.s32 v17, v20;
	_ =	sdelay $0x4  }
0x172: {  	[hbm4b:s2+s3] =	stream.indirect_vreg.scatter [tilespmem:s9], [sflag:$0x1], $0x80, v20, vm0, $0xb8;
	[tilespmem:$0x10800] =	vst v63  }
0x173: {  	v19 =	vperm.xlane v19, v18  }
0x174: {  	[hbm4b:s5+s3] =	stream.indirect_vreg.scatter [tilespmem:s0], [sflag:$0x1], $0x80, v20, vm0, $0xb8;
	[tilespmem:$0x10800] =	vst v63  }
0x175: {  	v19 =	vadd.s32 v17, v19  }
0x176: {  	[hbm4b:s6+s3] =	stream.indirect_vreg.scatter [tilespmem:s1], [sflag:$0x1], $0x80, v20, vm0, $0xb8;
	[tilespmem:$0x10800] =	vst v63  }
0x177: {  	_ = 	snop  }
0x178: {  	[hbm4b:s7+s3] =	stream.indirect_vreg.scatter [tilespmem:s4], [sflag:$0x1], $0x80, v20, vm0, $0xb8;
	[tilespmem:$0x10800] =	vst v63  }
0x179: {  	_ = 	snop  }
0x17a: {  	[hbm4b:s2+s3] =	stream.indirect_vreg.scatter [tilespmem:s11], [sflag:$0x1], $0x80, v19, vm0, $0xb8;
	[tilespmem:$0x10800] =	vst v63  }
0x17b: {  	_ = 	snop  }
0x17c: {  	[hbm4b:s5+s3] =	stream.indirect_vreg.scatter [tilespmem:s12], [sflag:$0x1], $0x80, v19, vm0, $0xb8;
	[tilespmem:$0x10800] =	vst v63  }
0x17d: {  	_ = 	snop  }
0x17e: {  	[hbm4b:s6+s3] =	stream.indirect_vreg.scatter [tilespmem:s13], [sflag:$0x1], $0x80, v19, vm0, $0xb8;
	[tilespmem:$0x10800] =	vst v63  }
0x17f: {  	_ = 	snop  }
0x180: {  	[hbm4b:s7+s3] =	stream.indirect_vreg.scatter [tilespmem:s14], [sflag:$0x1], $0x80, v19, vm0, $0xb8;
	[tilespmem:$0x10800] =	vst v63  }
0x181: {  	v19 =	vld [tilespmem:$0x10390];
	_ =	sdelay $0x4  }
0x182: {  	v20 =	vshll.u32 v19, $0x3  }
0x183: {  	v19 =	vand.u32 $0x7, v19;
	v20 =	vand.u32 $0xFFFFFFC0, v20  }
0x184: {  	v19 =	vor.u32 v19, v20  }
0x185: {  	v20 =	vperm.xlane v19, v16;
	_ =	sdelay $0x1  }
0x186: {  	v20 =	vadd.s32 v17, v20;
	_ =	sdelay $0x4  }
0x187: {  	[hbm4b:s2+s3] =	stream.indirect_vreg.scatter [tilespmem:s23], [sflag:$0x1], $0x80, v20, vm0, $0xb8;
	[tilespmem:$0x10800] =	vst v63  }
0x188: {  	v19 =	vperm.xlane v19, v18  }
0x189: {  	[hbm4b:s5+s3] =	stream.indirect_vreg.scatter [tilespmem:s24], [sflag:$0x1], $0x80, v20, vm0, $0xb8;
	[tilespmem:$0x10800] =	vst v63  }
0x18a: {  	v19 =	vadd.s32 v17, v19  }
0x18b: {  	[hbm4b:s6+s3] =	stream.indirect_vreg.scatter [tilespmem:s25], [sflag:$0x1], $0x80, v20, vm0, $0xb8;
	[tilespmem:$0x10800] =	vst v63  }
0x18c: {  	_ = 	snop  }
0x18d: {  	[hbm4b:s7+s3] =	stream.indirect_vreg.scatter [tilespmem:s26], [sflag:$0x1], $0x80, v20, vm0, $0xb8;
	[tilespmem:$0x10800] =	vst v63  }
0x18e: {  	_ = 	snop  }
0x18f: {  	[hbm4b:s2+s3] =	stream.indirect_vreg.scatter [tilespmem:s28], [sflag:$0x1], $0x80, v19, vm0, $0xb8;
	[tilespmem:$0x10800] =	vst v63  }
0x190: {  	_ = 	snop  }
0x191: {  	[hbm4b:s5+s3] =	stream.indirect_vreg.scatter [tilespmem:s15], [sflag:$0x1], $0x80, v19, vm0, $0xb8;
	[tilespmem:$0x10800] =	vst v63  }
0x192: {  	_ = 	snop  }
0x193: {  	[hbm4b:s6+s3] =	stream.indirect_vreg.scatter [tilespmem:s16], [sflag:$0x1], $0x80, v19, vm0, $0xb8;
	[tilespmem:$0x10800] =	vst v63  }
0x194: {  	s22 =	simm.s32 @!p0 $0x2  }
0x195: {  	[hbm4b:s7+s3] =	stream.indirect_vreg.scatter [tilespmem:s17], [sflag:$0x1], $0x80, v19, vm0, $0xb8;
	[tilespmem:$0x10800] =	vst v63  }
0x196: {  	_ =	swait.ge @!p0 [sflag:s22], $0x400  }
0x197: {  	[sflag:s22] =	ssyncset.done @!p0 $0x0  }
0x198: {  	[sflag:s22] =	ssyncadd.s32 @!p0 $0xFFFFFC00;
	s22 =	simm.s32 @!p0 $0x1  }
0x199: {  	[hbm4b:s2+s19] =	stream.strided.scatter @!p0 [tilespmem:s21], [sflag:$0x1], $0x400, s20, s19, $0x38;
	[tilespmem:$0x10800] =	vst v63  }
0x19a: {  	_ =	swait.ge @!p0 [sflag:s22], $0x400  }
0x19b: {  	[sflag:s22] =	ssyncset.done @!p0 $0x0  }
0x19c: {  	s23 =	rddreg [dreg:$0xd];
	[sflag:s22] =	ssyncadd.s32 @!p0 $0xFFFFFC00  }
0x19d: {  	[hbm4b:s23+s19] =	stream.strided.scatter @!p0 [tilespmem:s21], [sflag:$0x1], $0x400, s20, s19, $0x38;
	[tilespmem:$0x10800] =	vst v63  }
0x19e: {  	_ =	swait.ge @!p0 [sflag:s22], $0x400  }
0x19f: {  	[sflag:s22] =	ssyncset.done @!p0 $0x0  }
0x1a0: {  	s23 =	rddreg [dreg:$0xe];
	[sflag:s22] =	ssyncadd.s32 @!p0 $0xFFFFFC00  }
0x1a1: {  	[hbm4b:s23+s19] =	stream.strided.scatter @!p0 [tilespmem:s21], [sflag:$0x1], $0x400, s20, s19, $0x38;
	[tilespmem:$0x10800] =	vst v63  }
0x1a2: {  	_ =	swait.ge @!p0 [sflag:s22], $0x400  }
0x1a3: {  	[sflag:s22] =	ssyncset.done @!p0 $0x0  }
0x1a4: {  	s23 =	rddreg [dreg:$0xf];
	[sflag:s22] =	ssyncadd.s32 @!p0 $0xFFFFFC00  }
0x1a5: {  	[hbm4b:s23+s19] =	stream.strided.scatter @!p0 [tilespmem:s21], [sflag:$0x1], $0x400, s20, s19, $0x38;
	[tilespmem:$0x10800] =	vst v63  }
0x1a6: {  	_ =	swait.ge @!p0 [sflag:s22], $0x400  }
0x1a7: {  	[sflag:s22] =	ssyncset.done @!p0 $0x0  }
0x1a8: {  	[sflag:s22] =	ssyncadd.s32 @!p0 $0xFFFFFC00  }
0x1a9: {  	_ =	swait.ge [sflag:s18], $0x8000  }
0x1aa: {  	[sflag:s18] =	ssyncset.done $0x0  }
0x1ab: {  	[sflag:s18] =	ssyncadd.s32 $0xFFFF8000  }
0x1ac: {  	_ =	swait.ge [sflag:s18], $0x8000  }
0x1ad: {  	[sflag:s18] =	ssyncset.done $0x0  }
0x1ae: {  	[sflag:s18] =	ssyncadd.s32 $0xFFFF8000  }
0x1af: {  	_ =	swait.ge [sflag:s18], $0x8000  }
0x1b0: {  	[sflag:s18] =	ssyncset.done $0x0  }
0x1b1: {  	[sflag:s18] =	ssyncadd.s32 $0xFFFF8000  }
0x1b2: {  	_ =	swait.ge [sflag:s18], $0x8000  }
0x1b3: {  	[sflag:s18] =	ssyncset.done $0x0  }
0x1b4: {  	[sflag:s18] =	ssyncadd.s32 $0xFFFF8000  }
0x1b5: {  	_ =	swait.ge [sflag:s18], $0x8000  }
0x1b6: {  	[sflag:s18] =	ssyncset.done $0x0  }
0x1b7: {  	[sflag:s18] =	ssyncadd.s32 $0xFFFF8000  }
0x1b8: {  	_ =	swait.ge [sflag:s18], $0x8000  }
0x1b9: {  	[sflag:s18] =	ssyncset.done $0x0  }
0x1ba: {  	[sflag:s18] =	ssyncadd.s32 $0xFFFF8000  }
0x1bb: {  	_ =	swait.ge [sflag:s18], $0x8000  }
0x1bc: {  	[sflag:s18] =	ssyncset.done $0x0  }
0x1bd: {  	[sflag:s18] =	ssyncadd.s32 $0xFFFF8000  }
0x1be: {  	_ =	swait.ge [sflag:s18], $0x8000  }
0x1bf: {  	[sflag:s18] =	ssyncset.done $0x0  }
0x1c0: {  	[sflag:s18] =	ssyncadd.s32 $0xFFFF8000  }
0x1c1: {  	_ =	swait.ge [sflag:s18], $0x8000  }
0x1c2: {  	[sflag:s18] =	ssyncset.done $0x0  }
0x1c3: {  	[sflag:s18] =	ssyncadd.s32 $0xFFFF8000  }
0x1c4: {  	_ =	swait.ge [sflag:s18], $0x8000  }
0x1c5: {  	[sflag:s18] =	ssyncset.done $0x0  }
0x1c6: {  	[sflag:s18] =	ssyncadd.s32 $0xFFFF8000  }
0x1c7: {  	_ =	swait.ge [sflag:s18], $0x8000  }
0x1c8: {  	[sflag:s18] =	ssyncset.done $0x0  }
0x1c9: {  	[sflag:s18] =	ssyncadd.s32 $0xFFFF8000  }
0x1ca: {  	_ =	swait.ge [sflag:s18], $0x8000  }
0x1cb: {  	[sflag:s18] =	ssyncset.done $0x0  }
0x1cc: {  	[sflag:s18] =	ssyncadd.s32 $0xFFFF8000  }
0x1cd: {  	_ =	swait.ge [sflag:s18], $0x8000  }
0x1ce: {  	[sflag:s18] =	ssyncset.done $0x0  }
0x1cf: {  	[sflag:s18] =	ssyncadd.s32 $0xFFFF8000  }
0x1d0: {  	_ =	swait.ge [sflag:s18], $0x8000  }
0x1d1: {  	[sflag:s18] =	ssyncset.done $0x0  }
0x1d2: {  	s8 =	sadd.s32 $0xFFFFFFFF, s8;
	[sflag:s18] =	ssyncadd.s32 $0xFFFF8000  }
0x1d3: {  	p1 =	sne.s32 s8, $0x0;
	_ =	swait.ge [sflag:s18], $0x8000  }
.Ltmp0:
0x1d4: {  	[sflag:s18] =	ssyncset.done $0x0;
	(pc) =	sbr.rel @p1 .LBB2_1-.Ltmp0, $4  }
0x1d5: {  	[sflag:s18] =	ssyncadd.s32 $0xFFFF8000  }
0x1d6: {  	_ =	swait.ge [sflag:s18], $0x8000  }
0x1d7: {  	[sflag:s18] =	ssyncset.done $0x0  }
0x1d8: {  	[sflag:s18] =	ssyncadd.s32 $0xFFFF8000  }
0x1d9: {  	_ =	sfence.sel $0x180000  }
0x1da: {  	[bflag:$0x0] =	sbarrier.arrive $0xFFFF  }
0x1db: {  	_ =	strace $0x90000047  }
0x1dc: {  	s0 =	stileid.u32;
	[bflag:$0x2] =	sbarrier.arrive $0xFFFF  }
0x1dd: {  	p0 =	sne.s32 s0, $0x0;
	s0 =	rddreg [dreg:$0x2]  }
0x1de: {  	s0 =	sadd.s32 @!p0 $0x100000, s0  }
0x1df: {  	[sflag:s0] =	ssyncadd.tile.s32 @!p0 $0x1;
	_ =	shalt  }
.Lfunc_end2:
_tile_overlayer_lowered:
.L_overlay_start_2:
0x1e0: {  	(tag) =	ssettag $0x2  }
0x1e1: {  	s0 =	rddreg [dreg:$0x0];
	s2 =	stileid.u32  }
0x1e2: {  	s1 =	rddreg [dreg:$0x1];
	p0 =	sne.s32 s2, $0x0  }
0x1e3: {  	s3 =	rddreg [dreg:$0x2];
	[bflag:$0x3] =	sbarrier.arrive $0xFFFF;
	s2 =	simm.s32 @!p0 $0x1C03  }
0x1e4: {  	[timem:s3], [sflag:s2] =	dma.local @!p0 [hbm:s0], s1  }
0x1e5: {  	s0 =	simm.s32 @!p0 $0x3  }
0x1e6: {  	_ =	swait.ge @!p0 [sflag:s0], s1  }
0x1e7: {  	s1 =	ssub.s32 @!p0 $0x0, s1;
	[sflag:s0] =	ssyncset.done @!p0 $0x0  }
0x1e8: {  	[sflag:s0] =	ssyncadd.s32 @!p0 s1  }
0x1e9: {  	[bflag:$0x3] =	sbarrier.arrive $0xFFFF  }
0x1ea: {  	_ =	shalt  }

</sc_bundles>
